<compile_context>
chip_gen: v7x
topology: tpu7x:2x2x1
jax: 0.10.2.dev20260603
libtpu: 0.0.44.dev20260713+nightly
codegen_flags: <defaults>
</compile_context>

<pallas_src>
import functools

import jax
import jax.numpy as jnp
from jax import lax
from jax.experimental import pallas as pl
from jax.experimental.pallas import tpu as pltpu
from jax.experimental.pallas import tpu_sc as plsc

N_NODES = 10000
D = 128
N_EDGES = 320000

NC = 2
NS = 16
NW = NC * NS

CHUNK = 128
NCH = 80
EPT = NCH * CHUNK
PE = EPT * NW

DEG_N = 10240
DEG_SL = DEG_N // NS
NP = 10112
AGG_SL = NP // NS

_mesh = plsc.VectorSubcoreMesh(
    core_axis_name="c", subcore_axis_name="s", num_cores=NC, num_subcores=NS
)


def _deg_body(srcp, dstp, consts, out, sidx, didx, ones_v, deg_s, deg_d):
    c = lax.axis_index("c")
    s = lax.axis_index("s")
    off = s * DEG_SL
    pltpu.sync_copy(consts.at[pl.ds(off, DEG_SL)], deg_s.at[pl.ds(off, DEG_SL)])
    pltpu.sync_copy(consts.at[pl.ds(off, DEG_SL)], deg_d.at[pl.ds(off, DEG_SL)])
    pltpu.sync_copy(consts.at[pl.ds(DEG_N, CHUNK)], ones_v)
    m = c * NS + s
    pltpu.sync_copy(srcp.at[m], sidx)
    pltpu.sync_copy(dstp.at[m], didx)
    plsc.subcore_barrier()

    def body(j, carry):
        pltpu.sync_copy(ones_v, deg_s.at[sidx.at[j]], add=True)
        pltpu.sync_copy(ones_v, deg_d.at[didx.at[j]], add=True)
        return carry

    lax.fori_loop(0, NCH, body, 0)
    plsc.subcore_barrier()
    pltpu.sync_copy(deg_s.at[pl.ds(off, DEG_SL)], out.at[c, 0, pl.ds(off, DEG_SL)])
    pltpu.sync_copy(deg_d.at[pl.ds(off, DEG_SL)], out.at[c, 1, pl.ds(off, DEG_SL)])


_deg_kernel = pl.kernel(
    _deg_body,
    out_type=jax.ShapeDtypeStruct((NC, 2, DEG_N), jnp.float32),
    mesh=_mesh,
    scratch_types=[
        pltpu.VMEM((NCH, CHUNK), jnp.int32),
        pltpu.VMEM((NCH, CHUNK), jnp.int32),
        pltpu.VMEM((CHUNK,), jnp.float32),
        pltpu.VMEM_SHARED((DEG_N,), jnp.float32),
        pltpu.VMEM_SHARED((DEG_N,), jnp.float32),
    ],
)


def _agg_body(xn, srcp, dstp, zrows, out, sidx, didx, rows0, rows1, agg, sem0, sem1):
    c = lax.axis_index("c")
    s = lax.axis_index("s")
    off = s * AGG_SL
    pltpu.sync_copy(zrows, agg.at[pl.ds(off, AGG_SL)])
    m = c * NS + s
    plsc.subcore_barrier()

    hch = NCH // 2
    half = hch // 2

    def body(jj, carry):
        j0 = 2 * jj
        pltpu.make_async_copy(xn.at[sidx.at[j0]], rows0, sem0).wait()
        pltpu.async_copy(xn.at[sidx.at[j0 + 1]], rows1, sem1)
        pltpu.sync_copy(rows0, agg.at[didx.at[j0]], add=True)
        pltpu.make_async_copy(xn.at[sidx.at[j0 + 1]], rows1, sem1).wait()

        @pl.when(jj < half - 1)
        def _():
            pltpu.async_copy(xn.at[sidx.at[j0 + 2]], rows0, sem0)

        pltpu.sync_copy(rows1, agg.at[didx.at[j0 + 1]], add=True)
        return carry

    for h in range(2):
        pltpu.sync_copy(srcp.at[m, pl.ds(h * hch, hch)], sidx)
        pltpu.sync_copy(dstp.at[m, pl.ds(h * hch, hch)], didx)
        pltpu.async_copy(xn.at[sidx.at[0]], rows0, sem0)
        lax.fori_loop(0, half, body, 0)
    plsc.subcore_barrier()
    pltpu.sync_copy(agg.at[pl.ds(off, AGG_SL)], out.at[c, pl.ds(off, AGG_SL)])


_agg_kernel = pl.kernel(
    _agg_body,
    out_type=jax.ShapeDtypeStruct((NC, NP, D), jnp.float32),
    mesh=_mesh,
    scratch_types=[
        pltpu.VMEM((NCH // 2, CHUNK), jnp.int32),
        pltpu.VMEM((NCH // 2, CHUNK), jnp.int32),
        pltpu.VMEM((CHUNK, D), jnp.float32),
        pltpu.VMEM((CHUNK, D), jnp.float32),
        pltpu.VMEM_SHARED((NP, D), jnp.float32),
        pltpu.SemaphoreType.DMA,
        pltpu.SemaphoreType.DMA,
    ],
)


def _scale_body(x_ref, degt_ref, xn_ref):
    d = degt_ref[...]
    ns = lax.rsqrt(jnp.maximum(d[:, 0:1] + d[:, 2:3], 1.0))
    xn_ref[:N_NODES, :] = x_ref[...] * ns[:N_NODES]
    xn_ref[N_NODES:, :] = jnp.zeros((NP - N_NODES, D), jnp.float32)


def _final_body(aggp_ref, degt_ref, h0_ref, w_ref, s_ref, out_ref):
    d = degt_ref[...]
    nd = lax.rsqrt(jnp.maximum(d[:, 1:2] + d[:, 3:4], 1.0))[:N_NODES]
    agg = aggp_ref[0, :N_NODES, :] + aggp_ref[1, :N_NODES, :]
    alpha = s_ref[0:1, 0:1]
    theta = s_ref[1:2, 0:1]
    sup = (1.0 - alpha) * (agg * nd) + alpha * h0_ref[...]
    mm = jnp.dot(sup, w_ref[...], preferred_element_type=jnp.float32)
    out_ref[...] = theta * mm + (1.0 - theta) * sup


def kernel(input, g, h0, lamda, alpha, l, W):
    x = input.astype(jnp.float32)
    src = g[0].astype(jnp.int32)
    dst = g[1].astype(jnp.int32)
    pad = jnp.full((PE - N_EDGES,), N_NODES, jnp.int32)
    srcp = jnp.concatenate([src, pad]).reshape(NW, NCH, CHUNK)
    dstp = jnp.concatenate([dst, pad]).reshape(NW, NCH, CHUNK)

    consts = jnp.concatenate(
        [jnp.zeros((DEG_N,), jnp.float32), jnp.ones((CHUNK,), jnp.float32)]
    )
    degp = _deg_kernel(srcp, dstp, consts)
    degt = degp.reshape(2 * NC, DEG_N).T

    xn = pl.pallas_call(
        _scale_body,
        out_shape=jax.ShapeDtypeStruct((NP, D), jnp.float32),
    )(x, degt)

    zrows = jnp.zeros((AGG_SL, D), jnp.float32)
    aggp = _agg_kernel(xn, srcp, dstp, zrows)

    theta = jnp.log(lamda / l + 1.0)
    scal = jnp.stack(
        [alpha.reshape(()).astype(jnp.float32), jnp.asarray(theta, jnp.float32)]
    ).reshape(2, 1)

    out = pl.pallas_call(
        _final_body,
        out_shape=jax.ShapeDtypeStruct((N_NODES, D), jnp.float32),
    )(aggp, degt, h0.astype(jnp.float32), W.astype(jnp.float32), scal)
    return out

# --- scband reference (transcript-rebuilt; emitter-appended) ---
"""Pipeline reference for scband-graph-convolution-75127567942080 (READ-ONLY COPY).

The authoritative reference and input builder live on the scoring server;
editing this copy changes nothing except your own understanding.
"""

import jax, jax.numpy as jnp
import numpy as np
import math

N_NODES = 10000
N_EDGES = 320000
D_FEAT = 128


def setup_inputs(seed: int = 0) -> dict:
    key = jax.random.key(seed)
    k1, k2, k3, k4, k5 = jax.random.split(key, 5)
    x = jax.random.normal(k1, (N_NODES, D_FEAT), dtype=jnp.float32)
    h0 = jax.random.normal(k2, (N_NODES, D_FEAT), dtype=jnp.float32)
    edge_index = jax.random.randint(k3, (2, N_EDGES), 0, N_NODES, dtype=jnp.int32)
    alpha = jax.random.uniform(k4, (1,), dtype=jnp.float32)
    stdv = 1.0 / math.sqrt(D_FEAT)
    W = jax.random.uniform(k5, (D_FEAT, D_FEAT), dtype=jnp.float32, minval=-stdv, maxval=stdv)
    return {"input": x, "g": edge_index, "h0": h0, "lamda": 1, "alpha": alpha, "l": 2, "W": W}


def reference(input, g, h0, lamda, alpha, l, W):
    # theta per GCNII
    theta = jnp.log(lamda / l + 1)
    src = g[0]
    dst = g[1]
    n = input.shape[0]
    # DGL GraphConv(norm='both', weight=False, bias=False):
    # hi = D_in^{-1/2} * A * D_out^{-1/2} * input, with degrees clamped to min 1
    deg_out = jnp.clip(jnp.bincount(src, length=n), 1)
    deg_in = jnp.clip(jnp.bincount(dst, length=n), 1)
    norm_src = jax.lax.rsqrt(deg_out.astype(input.dtype))
    norm_dst = jax.lax.rsqrt(deg_in.astype(input.dtype))
    msg = (input * norm_src[:, None])[src]  # gather over src nodes
    agg = jax.ops.segment_sum(msg, dst, num_segments=n)  # scatter-add over dst nodes
    hi = agg * norm_dst[:, None]
    # variant=False branch
    support = (1.0 - alpha) * hi + alpha * h0
    r = support
    output = theta * (support @ W) + (1.0 - theta) * r
    # residual=False: no skip connection
    return output

if __name__ == "__main__":
    import jax
    _d = setup_inputs()
    print(jax.jit(kernel)(*tuple(_d.values())))

</pallas_src>

<mosaic_0001>
#map = affine_map<(d0, d1) -> (0, 0)>
#map1 = affine_map<(d0, d1) -> (0, 0, 0)>
module attributes {stable_mosaic.version = 14 : i64} {
  func.func @_agg_body(%arg0: i32, %arg1: i32, %arg2: memref<10112x128xf32, #tpu.memory_space<hbm>>, %arg3: memref<32x80x128xi32, #tpu.memory_space<hbm>>, %arg4: memref<32x80x128xi32, #tpu.memory_space<hbm>>, %arg5: memref<632x128xf32, #tpu.memory_space<hbm>>, %arg6: memref<2x10112x128xf32, #tpu.memory_space<hbm>>, %arg7: memref<40x128xi32, #tpu.memory_space<vmem>>, %arg8: memref<40x128xi32, #tpu.memory_space<vmem>>, %arg9: memref<128x128xf32, #tpu.memory_space<vmem>>, %arg10: memref<128x128xf32, #tpu.memory_space<vmem>>, %arg11: memref<10112x128xf32, #tpu.memory_space<vmem_shared>>, %arg12: memref<!tpu.dma_semaphore, #tpu.memory_space<semaphore_mem>>, %arg13: memref<!tpu.dma_semaphore, #tpu.memory_space<semaphore_mem>>) attributes {dimension_semantics = [#tpu.dimension_semantics<core_parallel>, #tpu.dimension_semantics<subcore_parallel>], iteration_bounds = array<i64: 2, 16>, scalar_prefetch = 0 : i64, scratch_operands = 7 : i64, tpu.core_type = #tpu.core_type<sc_vector_subcore>, window_params = [{transform_indices = #map}, {transform_indices = #map1}, {transform_indices = #map1}, {transform_indices = #map}, {transform_indices = #map1}]} {
    %mul3A = arith.constant 632 : i32
    %mul3A_0 = arith.muli %arg1, %mul3A : i32
    "tpu.region"() ({
      %run_scoped3A = tpu.sem_alloc : memref<!tpu.dma_semaphore, #tpu.memory_space<semaphore_mem>>
      %dma_start3A_28 = arith.constant 0 : i32
      %dma_start3A_29 = tpu.memref_slice %arg11[%mul3A_0, %dma_start3A_28] : memref<10112x128xf32, #tpu.memory_space<vmem_shared>> -> memref<632x128xf32, #tpu.memory_space<vmem_shared>>
      tpu.enqueue_dma source(%arg5 : memref<632x128xf32, #tpu.memory_space<hbm>>) target(%dma_start3A_29 : memref<632x128xf32, #tpu.memory_space<vmem_shared>>) target_semaphore(%run_scoped3A : memref<!tpu.dma_semaphore, #tpu.memory_space<semaphore_mem>>)
      %dma_wait3A = arith.constant 0 : i32
      %dma_wait3A_30 = tpu.memref_slice %arg11[%mul3A_0, %dma_wait3A] : memref<10112x128xf32, #tpu.memory_space<vmem_shared>> -> memref<632x128xf32, #tpu.memory_space<vmem_shared>>
      tpu.wait_dma2 semaphore(%run_scoped3A : memref<!tpu.dma_semaphore, #tpu.memory_space<semaphore_mem>>) src(%arg5 : memref<632x128xf32, #tpu.memory_space<hbm>>) dst(%dma_wait3A_30 : memref<632x128xf32, #tpu.memory_space<vmem_shared>>)
      tpu.yield
    }) : () -> ()
    %mul3A_1 = arith.constant 16 : i32
    %mul3A_2 = arith.muli %arg0, %mul3A_1 : i32
    %add3A = arith.addi %mul3A_2, %arg1 : i32
    %barrier3A = arith.constant 0 : index
    tpu.barrier barrier_id(%barrier3A)
    "tpu.region"() ({
      %run_scoped3A = tpu.sem_alloc : memref<!tpu.dma_semaphore, #tpu.memory_space<semaphore_mem>>
      %dma_start3A_28 = arith.constant 0 : i32
      %dma_start3A_29 = arith.constant 0 : i32
      %dma_start3A_30 = tpu.memref_slice %arg3[%add3A, %dma_start3A_28, %dma_start3A_29] : memref<32x80x128xi32, #tpu.memory_space<hbm>> -> memref<1x40x128xi32, #tpu.memory_space<hbm>>
      %dma_start3A_31 = tpu.memref_squeeze %dma_start3A_30 : memref<1x40x128xi32, #tpu.memory_space<hbm>> -> memref<40x128xi32, #tpu.memory_space<hbm>>
      %dma_start3A_32 = arith.constant 0 : i32
      %dma_start3A_33 = arith.constant 0 : i32
      %dma_start3A_34 = tpu.memref_slice %arg3[%add3A, %dma_start3A_32, %dma_start3A_33] : memref<32x80x128xi32, #tpu.memory_space<hbm>> -> memref<1x40x128xi32, #tpu.memory_space<hbm>>
      %dma_start3A_35 = tpu.memref_squeeze %dma_start3A_34 : memref<1x40x128xi32, #tpu.memory_space<hbm>> -> memref<40x128xi32, #tpu.memory_space<hbm>>
      tpu.enqueue_dma source(%dma_start3A_35 : memref<40x128xi32, #tpu.memory_space<hbm>>) target(%arg7 : memref<40x128xi32, #tpu.memory_space<vmem>>) target_semaphore(%run_scoped3A : memref<!tpu.dma_semaphore, #tpu.memory_space<semaphore_mem>>)
      %dma_wait3A = arith.constant 0 : i32
      %dma_wait3A_36 = arith.constant 0 : i32
      %dma_wait3A_37 = tpu.memref_slice %arg3[%add3A, %dma_wait3A, %dma_wait3A_36] : memref<32x80x128xi32, #tpu.memory_space<hbm>> -> memref<1x40x128xi32, #tpu.memory_space<hbm>>
      %dma_wait3A_38 = tpu.memref_squeeze %dma_wait3A_37 : memref<1x40x128xi32, #tpu.memory_space<hbm>> -> memref<40x128xi32, #tpu.memory_space<hbm>>
      %dma_wait3A_39 = arith.constant 0 : i32
      %dma_wait3A_40 = arith.constant 0 : i32
      %dma_wait3A_41 = tpu.memref_slice %arg3[%add3A, %dma_wait3A_39, %dma_wait3A_40] : memref<32x80x128xi32, #tpu.memory_space<hbm>> -> memref<1x40x128xi32, #tpu.memory_space<hbm>>
      %dma_wait3A_42 = tpu.memref_squeeze %dma_wait3A_41 : memref<1x40x128xi32, #tpu.memory_space<hbm>> -> memref<40x128xi32, #tpu.memory_space<hbm>>
      tpu.wait_dma2 semaphore(%run_scoped3A : memref<!tpu.dma_semaphore, #tpu.memory_space<semaphore_mem>>) src(%dma_wait3A_42 : memref<40x128xi32, #tpu.memory_space<hbm>>) dst(%arg7 : memref<40x128xi32, #tpu.memory_space<vmem>>)
      tpu.yield
    }) : () -> ()
    "tpu.region"() ({
      %run_scoped3A = tpu.sem_alloc : memref<!tpu.dma_semaphore, #tpu.memory_space<semaphore_mem>>
      %dma_start3A_28 = arith.constant 0 : i32
      %dma_start3A_29 = arith.constant 0 : i32
      %dma_start3A_30 = tpu.memref_slice %arg4[%add3A, %dma_start3A_28, %dma_start3A_29] : memref<32x80x128xi32, #tpu.memory_space<hbm>> -> memref<1x40x128xi32, #tpu.memory_space<hbm>>
      %dma_start3A_31 = tpu.memref_squeeze %dma_start3A_30 : memref<1x40x128xi32, #tpu.memory_space<hbm>> -> memref<40x128xi32, #tpu.memory_space<hbm>>
      %dma_start3A_32 = arith.constant 0 : i32
      %dma_start3A_33 = arith.constant 0 : i32
      %dma_start3A_34 = tpu.memref_slice %arg4[%add3A, %dma_start3A_32, %dma_start3A_33] : memref<32x80x128xi32, #tpu.memory_space<hbm>> -> memref<1x40x128xi32, #tpu.memory_space<hbm>>
      %dma_start3A_35 = tpu.memref_squeeze %dma_start3A_34 : memref<1x40x128xi32, #tpu.memory_space<hbm>> -> memref<40x128xi32, #tpu.memory_space<hbm>>
      tpu.enqueue_dma source(%dma_start3A_35 : memref<40x128xi32, #tpu.memory_space<hbm>>) target(%arg8 : memref<40x128xi32, #tpu.memory_space<vmem>>) target_semaphore(%run_scoped3A : memref<!tpu.dma_semaphore, #tpu.memory_space<semaphore_mem>>)
      %dma_wait3A = arith.constant 0 : i32
      %dma_wait3A_36 = arith.constant 0 : i32
      %dma_wait3A_37 = tpu.memref_slice %arg4[%add3A, %dma_wait3A, %dma_wait3A_36] : memref<32x80x128xi32, #tpu.memory_space<hbm>> -> memref<1x40x128xi32, #tpu.memory_space<hbm>>
      %dma_wait3A_38 = tpu.memref_squeeze %dma_wait3A_37 : memref<1x40x128xi32, #tpu.memory_space<hbm>> -> memref<40x128xi32, #tpu.memory_space<hbm>>
      %dma_wait3A_39 = arith.constant 0 : i32
      %dma_wait3A_40 = arith.constant 0 : i32
      %dma_wait3A_41 = tpu.memref_slice %arg4[%add3A, %dma_wait3A_39, %dma_wait3A_40] : memref<32x80x128xi32, #tpu.memory_space<hbm>> -> memref<1x40x128xi32, #tpu.memory_space<hbm>>
      %dma_wait3A_42 = tpu.memref_squeeze %dma_wait3A_41 : memref<1x40x128xi32, #tpu.memory_space<hbm>> -> memref<40x128xi32, #tpu.memory_space<hbm>>
      tpu.wait_dma2 semaphore(%run_scoped3A : memref<!tpu.dma_semaphore, #tpu.memory_space<semaphore_mem>>) src(%dma_wait3A_42 : memref<40x128xi32, #tpu.memory_space<hbm>>) dst(%arg8 : memref<40x128xi32, #tpu.memory_space<vmem>>)
      tpu.yield
    }) : () -> ()
    %dma_start3A = arith.constant 0 : i32
    %dma_start3A_3 = arith.constant 0 : i32
    %dma_start3A_4 = tpu.memref_slice %arg7[%dma_start3A, %dma_start3A_3] : memref<40x128xi32, #tpu.memory_space<vmem>> -> memref<1x128xi32, #tpu.memory_space<vmem>>
    %dma_start3A_5 = tpu.memref_squeeze %dma_start3A_4 : memref<1x128xi32, #tpu.memory_space<vmem>> -> memref<128xi32, #tpu.memory_space<vmem>>
    %dma_start3A_6 = arith.constant 0 : i32
    %dma_start3A_7 = arith.constant 0 : i32
    %dma_start3A_8 = tpu.memref_slice %arg2[%dma_start3A_6, %dma_start3A_7] : memref<10112x128xf32, #tpu.memory_space<hbm>> -> memref<10112x128xf32, #tpu.memory_space<hbm>>
    tpu.enqueue_indirect_dma source(%dma_start3A_8 : memref<10112x128xf32, #tpu.memory_space<hbm>>) target(%arg9 : memref<128x128xf32, #tpu.memory_space<vmem>>) offsets(%dma_start3A_5 : memref<128xi32, #tpu.memory_space<vmem>>) semaphore(%arg12 : memref<!tpu.dma_semaphore, #tpu.memory_space<semaphore_mem>>)
    %scan3A = arith.constant 0 : i32
    %scan3A_9 = arith.constant 0 : i32
    %scan3A_10 = arith.constant 20 : i32
    %scan3A_11 = arith.addi %scan3A_9, %scan3A_10 : i32
    %scan3A_12 = arith.constant 1 : i32
    scf.for %scan3A_28 = %scan3A_9 to %scan3A_11 step %scan3A_12  : i32 {
      %mul3A_29 = arith.constant 2 : i32
      %mul3A_30 = arith.muli %mul3A_29, %scan3A_28 : i32
      %dma_wait3A = arith.constant 0 : i32
      %dma_wait3A_31 = tpu.memref_slice %arg7[%mul3A_30, %dma_wait3A] : memref<40x128xi32, #tpu.memory_space<vmem>> -> memref<1x128xi32, #tpu.memory_space<vmem>>
      %dma_wait3A_32 = tpu.memref_squeeze %dma_wait3A_31 : memref<1x128xi32, #tpu.memory_space<vmem>> -> memref<128xi32, #tpu.memory_space<vmem>>
      %dma_wait3A_33 = arith.constant 0 : i32
      %dma_wait3A_34 = arith.constant 0 : i32
      %dma_wait3A_35 = tpu.memref_slice %arg2[%dma_wait3A_33, %dma_wait3A_34] : memref<10112x128xf32, #tpu.memory_space<hbm>> -> memref<10112x128xf32, #tpu.memory_space<hbm>>
      tpu.wait_indirect_dma semaphore(%arg12 : memref<!tpu.dma_semaphore, #tpu.memory_space<semaphore_mem>>) src(%dma_wait3A_35 : memref<10112x128xf32, #tpu.memory_space<hbm>>) dst(%arg9 : memref<128x128xf32, #tpu.memory_space<vmem>>)
      %add3A_36 = arith.constant 1 : i32
      %add3A_37 = arith.addi %mul3A_30, %add3A_36 : i32
      %dma_start3A_38 = arith.constant 0 : i32
      %dma_start3A_39 = tpu.memref_slice %arg7[%add3A_37, %dma_start3A_38] : memref<40x128xi32, #tpu.memory_space<vmem>> -> memref<1x128xi32, #tpu.memory_space<vmem>>
      %dma_start3A_40 = tpu.memref_squeeze %dma_start3A_39 : memref<1x128xi32, #tpu.memory_space<vmem>> -> memref<128xi32, #tpu.memory_space<vmem>>
      %dma_start3A_41 = arith.constant 0 : i32
      %dma_start3A_42 = arith.constant 0 : i32
      %dma_start3A_43 = tpu.memref_slice %arg2[%dma_start3A_41, %dma_start3A_42] : memref<10112x128xf32, #tpu.memory_space<hbm>> -> memref<10112x128xf32, #tpu.memory_space<hbm>>
      tpu.enqueue_indirect_dma source(%dma_start3A_43 : memref<10112x128xf32, #tpu.memory_space<hbm>>) target(%arg10 : memref<128x128xf32, #tpu.memory_space<vmem>>) offsets(%dma_start3A_40 : memref<128xi32, #tpu.memory_space<vmem>>) semaphore(%arg13 : memref<!tpu.dma_semaphore, #tpu.memory_space<semaphore_mem>>)
      "tpu.region"() ({
        %run_scoped3A = tpu.sem_alloc : memref<!tpu.dma_semaphore, #tpu.memory_space<semaphore_mem>>
        %dma_start3A_56 = arith.constant 0 : i32
        %dma_start3A_57 = tpu.memref_slice %arg8[%mul3A_30, %dma_start3A_56] : memref<40x128xi32, #tpu.memory_space<vmem>> -> memref<1x128xi32, #tpu.memory_space<vmem>>
        %dma_start3A_58 = tpu.memref_squeeze %dma_start3A_57 : memref<1x128xi32, #tpu.memory_space<vmem>> -> memref<128xi32, #tpu.memory_space<vmem>>
        %dma_start3A_59 = arith.constant 0 : i32
        %dma_start3A_60 = arith.constant 0 : i32
        %dma_start3A_61 = tpu.memref_slice %arg11[%dma_start3A_59, %dma_start3A_60] : memref<10112x128xf32, #tpu.memory_space<vmem_shared>> -> memref<10112x128xf32, #tpu.memory_space<vmem_shared>>
        tpu.enqueue_indirect_dma source(%arg9 : memref<128x128xf32, #tpu.memory_space<vmem>>) target(%dma_start3A_61 : memref<10112x128xf32, #tpu.memory_space<vmem_shared>>) offsets(%dma_start3A_58 : memref<128xi32, #tpu.memory_space<vmem>>) semaphore(%run_scoped3A : memref<!tpu.dma_semaphore, #tpu.memory_space<semaphore_mem>>) {add = true}
        %dma_wait3A_62 = arith.constant 0 : i32
        %dma_wait3A_63 = tpu.memref_slice %arg8[%mul3A_30, %dma_wait3A_62] : memref<40x128xi32, #tpu.memory_space<vmem>> -> memref<1x128xi32, #tpu.memory_space<vmem>>
        %dma_wait3A_64 = tpu.memref_squeeze %dma_wait3A_63 : memref<1x128xi32, #tpu.memory_space<vmem>> -> memref<128xi32, #tpu.memory_space<vmem>>
        %dma_wait3A_65 = arith.constant 0 : i32
        %dma_wait3A_66 = arith.constant 0 : i32
        %dma_wait3A_67 = tpu.memref_slice %arg11[%dma_wait3A_65, %dma_wait3A_66] : memref<10112x128xf32, #tpu.memory_space<vmem_shared>> -> memref<10112x128xf32, #tpu.memory_space<vmem_shared>>
        tpu.wait_indirect_dma semaphore(%run_scoped3A : memref<!tpu.dma_semaphore, #tpu.memory_space<semaphore_mem>>) src(%arg9 : memref<128x128xf32, #tpu.memory_space<vmem>>) dst(%dma_wait3A_67 : memref<10112x128xf32, #tpu.memory_space<vmem_shared>>)
        tpu.yield
      }) : () -> ()
      %add3A_44 = arith.constant 1 : i32
      %add3A_45 = arith.addi %mul3A_30, %add3A_44 : i32
      %dma_wait3A_46 = arith.constant 0 : i32
      %dma_wait3A_47 = tpu.memref_slice %arg7[%add3A_45, %dma_wait3A_46] : memref<40x128xi32, #tpu.memory_space<vmem>> -> memref<1x128xi32, #tpu.memory_space<vmem>>
      %dma_wait3A_48 = tpu.memref_squeeze %dma_wait3A_47 : memref<1x128xi32, #tpu.memory_space<vmem>> -> memref<128xi32, #tpu.memory_space<vmem>>
      %dma_wait3A_49 = arith.constant 0 : i32
      %dma_wait3A_50 = arith.constant 0 : i32
      %dma_wait3A_51 = tpu.memref_slice %arg2[%dma_wait3A_49, %dma_wait3A_50] : memref<10112x128xf32, #tpu.memory_space<hbm>> -> memref<10112x128xf32, #tpu.memory_space<hbm>>
      tpu.wait_indirect_dma semaphore(%arg13 : memref<!tpu.dma_semaphore, #tpu.memory_space<semaphore_mem>>) src(%dma_wait3A_51 : memref<10112x128xf32, #tpu.memory_space<hbm>>) dst(%arg10 : memref<128x128xf32, #tpu.memory_space<vmem>>)
      %lt3A = arith.constant 19 : i32
      %lt3A_52 = arith.cmpi slt, %scan3A_28, %lt3A : i32
      %convert_element_type3A = arith.extui %lt3A_52 : i1 to i32
      %cond3A = arith.constant 0 : i32
      %cond3A_53 = arith.cmpi ne, %convert_element_type3A, %cond3A : i32
      scf.if %cond3A_53 {
        %add3A_56 = arith.constant 2 : i32
        %add3A_57 = arith.addi %mul3A_30, %add3A_56 : i32
        %dma_start3A_58 = arith.constant 0 : i32
        %dma_start3A_59 = tpu.memref_slice %arg7[%add3A_57, %dma_start3A_58] : memref<40x128xi32, #tpu.memory_space<vmem>> -> memref<1x128xi32, #tpu.memory_space<vmem>>
        %dma_start3A_60 = tpu.memref_squeeze %dma_start3A_59 : memref<1x128xi32, #tpu.memory_space<vmem>> -> memref<128xi32, #tpu.memory_space<vmem>>
        %dma_start3A_61 = arith.constant 0 : i32
        %dma_start3A_62 = arith.constant 0 : i32
        %dma_start3A_63 = tpu.memref_slice %arg2[%dma_start3A_61, %dma_start3A_62] : memref<10112x128xf32, #tpu.memory_space<hbm>> -> memref<10112x128xf32, #tpu.memory_space<hbm>>
        tpu.enqueue_indirect_dma source(%dma_start3A_63 : memref<10112x128xf32, #tpu.memory_space<hbm>>) target(%arg9 : memref<128x128xf32, #tpu.memory_space<vmem>>) offsets(%dma_start3A_60 : memref<128xi32, #tpu.memory_space<vmem>>) semaphore(%arg12 : memref<!tpu.dma_semaphore, #tpu.memory_space<semaphore_mem>>)
      } else {
      }
      %add3A_54 = arith.constant 1 : i32
      %add3A_55 = arith.addi %mul3A_30, %add3A_54 : i32
      "tpu.region"() ({
        %run_scoped3A = tpu.sem_alloc : memref<!tpu.dma_semaphore, #tpu.memory_space<semaphore_mem>>
        %dma_start3A_56 = arith.constant 0 : i32
        %dma_start3A_57 = tpu.memref_slice %arg8[%add3A_55, %dma_start3A_56] : memref<40x128xi32, #tpu.memory_space<vmem>> -> memref<1x128xi32, #tpu.memory_space<vmem>>
        %dma_start3A_58 = tpu.memref_squeeze %dma_start3A_57 : memref<1x128xi32, #tpu.memory_space<vmem>> -> memref<128xi32, #tpu.memory_space<vmem>>
        %dma_start3A_59 = arith.constant 0 : i32
        %dma_start3A_60 = arith.constant 0 : i32
        %dma_start3A_61 = tpu.memref_slice %arg11[%dma_start3A_59, %dma_start3A_60] : memref<10112x128xf32, #tpu.memory_space<vmem_shared>> -> memref<10112x128xf32, #tpu.memory_space<vmem_shared>>
        tpu.enqueue_indirect_dma source(%arg10 : memref<128x128xf32, #tpu.memory_space<vmem>>) target(%dma_start3A_61 : memref<10112x128xf32, #tpu.memory_space<vmem_shared>>) offsets(%dma_start3A_58 : memref<128xi32, #tpu.memory_space<vmem>>) semaphore(%run_scoped3A : memref<!tpu.dma_semaphore, #tpu.memory_space<semaphore_mem>>) {add = true}
        %dma_wait3A_62 = arith.constant 0 : i32
        %dma_wait3A_63 = tpu.memref_slice %arg8[%add3A_55, %dma_wait3A_62] : memref<40x128xi32, #tpu.memory_space<vmem>> -> memref<1x128xi32, #tpu.memory_space<vmem>>
        %dma_wait3A_64 = tpu.memref_squeeze %dma_wait3A_63 : memref<1x128xi32, #tpu.memory_space<vmem>> -> memref<128xi32, #tpu.memory_space<vmem>>
        %dma_wait3A_65 = arith.constant 0 : i32
        %dma_wait3A_66 = arith.constant 0 : i32
        %dma_wait3A_67 = tpu.memref_slice %arg11[%dma_wait3A_65, %dma_wait3A_66] : memref<10112x128xf32, #tpu.memory_space<vmem_shared>> -> memref<10112x128xf32, #tpu.memory_space<vmem_shared>>
        tpu.wait_indirect_dma semaphore(%run_scoped3A : memref<!tpu.dma_semaphore, #tpu.memory_space<semaphore_mem>>) src(%arg10 : memref<128x128xf32, #tpu.memory_space<vmem>>) dst(%dma_wait3A_67 : memref<10112x128xf32, #tpu.memory_space<vmem_shared>>)
        tpu.yield
      }) : () -> ()
    }
    %scan3A_13 = arith.constant 20 : i32
    "tpu.region"() ({
      %run_scoped3A = tpu.sem_alloc : memref<!tpu.dma_semaphore, #tpu.memory_space<semaphore_mem>>
      %dma_start3A_28 = arith.constant 40 : i32
      %dma_start3A_29 = arith.constant 0 : i32
      %dma_start3A_30 = tpu.memref_slice %arg3[%add3A, %dma_start3A_28, %dma_start3A_29] : memref<32x80x128xi32, #tpu.memory_space<hbm>> -> memref<1x40x128xi32, #tpu.memory_space<hbm>>
      %dma_start3A_31 = tpu.memref_squeeze %dma_start3A_30 : memref<1x40x128xi32, #tpu.memory_space<hbm>> -> memref<40x128xi32, #tpu.memory_space<hbm>>
      %dma_start3A_32 = arith.constant 40 : i32
      %dma_start3A_33 = arith.constant 0 : i32
      %dma_start3A_34 = tpu.memref_slice %arg3[%add3A, %dma_start3A_32, %dma_start3A_33] : memref<32x80x128xi32, #tpu.memory_space<hbm>> -> memref<1x40x128xi32, #tpu.memory_space<hbm>>
      %dma_start3A_35 = tpu.memref_squeeze %dma_start3A_34 : memref<1x40x128xi32, #tpu.memory_space<hbm>> -> memref<40x128xi32, #tpu.memory_space<hbm>>
      tpu.enqueue_dma source(%dma_start3A_35 : memref<40x128xi32, #tpu.memory_space<hbm>>) target(%arg7 : memref<40x128xi32, #tpu.memory_space<vmem>>) target_semaphore(%run_scoped3A : memref<!tpu.dma_semaphore, #tpu.memory_space<semaphore_mem>>)
      %dma_wait3A = arith.constant 40 : i32
      %dma_wait3A_36 = arith.constant 0 : i32
      %dma_wait3A_37 = tpu.memref_slice %arg3[%add3A, %dma_wait3A, %dma_wait3A_36] : memref<32x80x128xi32, #tpu.memory_space<hbm>> -> memref<1x40x128xi32, #tpu.memory_space<hbm>>
      %dma_wait3A_38 = tpu.memref_squeeze %dma_wait3A_37 : memref<1x40x128xi32, #tpu.memory_space<hbm>> -> memref<40x128xi32, #tpu.memory_space<hbm>>
      %dma_wait3A_39 = arith.constant 40 : i32
      %dma_wait3A_40 = arith.constant 0 : i32
      %dma_wait3A_41 = tpu.memref_slice %arg3[%add3A, %dma_wait3A_39, %dma_wait3A_40] : memref<32x80x128xi32, #tpu.memory_space<hbm>> -> memref<1x40x128xi32, #tpu.memory_space<hbm>>
      %dma_wait3A_42 = tpu.memref_squeeze %dma_wait3A_41 : memref<1x40x128xi32, #tpu.memory_space<hbm>> -> memref<40x128xi32, #tpu.memory_space<hbm>>
      tpu.wait_dma2 semaphore(%run_scoped3A : memref<!tpu.dma_semaphore, #tpu.memory_space<semaphore_mem>>) src(%dma_wait3A_42 : memref<40x128xi32, #tpu.memory_space<hbm>>) dst(%arg7 : memref<40x128xi32, #tpu.memory_space<vmem>>)
      tpu.yield
    }) : () -> ()
    "tpu.region"() ({
      %run_scoped3A = tpu.sem_alloc : memref<!tpu.dma_semaphore, #tpu.memory_space<semaphore_mem>>
      %dma_start3A_28 = arith.constant 40 : i32
      %dma_start3A_29 = arith.constant 0 : i32
      %dma_start3A_30 = tpu.memref_slice %arg4[%add3A, %dma_start3A_28, %dma_start3A_29] : memref<32x80x128xi32, #tpu.memory_space<hbm>> -> memref<1x40x128xi32, #tpu.memory_space<hbm>>
      %dma_start3A_31 = tpu.memref_squeeze %dma_start3A_30 : memref<1x40x128xi32, #tpu.memory_space<hbm>> -> memref<40x128xi32, #tpu.memory_space<hbm>>
      %dma_start3A_32 = arith.constant 40 : i32
      %dma_start3A_33 = arith.constant 0 : i32
      %dma_start3A_34 = tpu.memref_slice %arg4[%add3A, %dma_start3A_32, %dma_start3A_33] : memref<32x80x128xi32, #tpu.memory_space<hbm>> -> memref<1x40x128xi32, #tpu.memory_space<hbm>>
      %dma_start3A_35 = tpu.memref_squeeze %dma_start3A_34 : memref<1x40x128xi32, #tpu.memory_space<hbm>> -> memref<40x128xi32, #tpu.memory_space<hbm>>
      tpu.enqueue_dma source(%dma_start3A_35 : memref<40x128xi32, #tpu.memory_space<hbm>>) target(%arg8 : memref<40x128xi32, #tpu.memory_space<vmem>>) target_semaphore(%run_scoped3A : memref<!tpu.dma_semaphore, #tpu.memory_space<semaphore_mem>>)
      %dma_wait3A = arith.constant 40 : i32
      %dma_wait3A_36 = arith.constant 0 : i32
      %dma_wait3A_37 = tpu.memref_slice %arg4[%add3A, %dma_wait3A, %dma_wait3A_36] : memref<32x80x128xi32, #tpu.memory_space<hbm>> -> memref<1x40x128xi32, #tpu.memory_space<hbm>>
      %dma_wait3A_38 = tpu.memref_squeeze %dma_wait3A_37 : memref<1x40x128xi32, #tpu.memory_space<hbm>> -> memref<40x128xi32, #tpu.memory_space<hbm>>
      %dma_wait3A_39 = arith.constant 40 : i32
      %dma_wait3A_40 = arith.constant 0 : i32
      %dma_wait3A_41 = tpu.memref_slice %arg4[%add3A, %dma_wait3A_39, %dma_wait3A_40] : memref<32x80x128xi32, #tpu.memory_space<hbm>> -> memref<1x40x128xi32, #tpu.memory_space<hbm>>
      %dma_wait3A_42 = tpu.memref_squeeze %dma_wait3A_41 : memref<1x40x128xi32, #tpu.memory_space<hbm>> -> memref<40x128xi32, #tpu.memory_space<hbm>>
      tpu.wait_dma2 semaphore(%run_scoped3A : memref<!tpu.dma_semaphore, #tpu.memory_space<semaphore_mem>>) src(%dma_wait3A_42 : memref<40x128xi32, #tpu.memory_space<hbm>>) dst(%arg8 : memref<40x128xi32, #tpu.memory_space<vmem>>)
      tpu.yield
    }) : () -> ()
    %dma_start3A_14 = arith.constant 0 : i32
    %dma_start3A_15 = arith.constant 0 : i32
    %dma_start3A_16 = tpu.memref_slice %arg7[%dma_start3A_14, %dma_start3A_15] : memref<40x128xi32, #tpu.memory_space<vmem>> -> memref<1x128xi32, #tpu.memory_space<vmem>>
    %dma_start3A_17 = tpu.memref_squeeze %dma_start3A_16 : memref<1x128xi32, #tpu.memory_space<vmem>> -> memref<128xi32, #tpu.memory_space<vmem>>
    %dma_start3A_18 = arith.constant 0 : i32
    %dma_start3A_19 = arith.constant 0 : i32
    %dma_start3A_20 = tpu.memref_slice %arg2[%dma_start3A_18, %dma_start3A_19] : memref<10112x128xf32, #tpu.memory_space<hbm>> -> memref<10112x128xf32, #tpu.memory_space<hbm>>
    tpu.enqueue_indirect_dma source(%dma_start3A_20 : memref<10112x128xf32, #tpu.memory_space<hbm>>) target(%arg9 : memref<128x128xf32, #tpu.memory_space<vmem>>) offsets(%dma_start3A_17 : memref<128xi32, #tpu.memory_space<vmem>>) semaphore(%arg12 : memref<!tpu.dma_semaphore, #tpu.memory_space<semaphore_mem>>)
    %scan3A_21 = arith.constant 0 : i32
    %scan3A_22 = arith.constant 0 : i32
    %scan3A_23 = arith.constant 20 : i32
    %scan3A_24 = arith.addi %scan3A_22, %scan3A_23 : i32
    %scan3A_25 = arith.constant 1 : i32
    scf.for %scan3A_28 = %scan3A_22 to %scan3A_24 step %scan3A_25  : i32 {
      %mul3A_29 = arith.constant 2 : i32
      %mul3A_30 = arith.muli %mul3A_29, %scan3A_28 : i32
      %dma_wait3A = arith.constant 0 : i32
      %dma_wait3A_31 = tpu.memref_slice %arg7[%mul3A_30, %dma_wait3A] : memref<40x128xi32, #tpu.memory_space<vmem>> -> memref<1x128xi32, #tpu.memory_space<vmem>>
      %dma_wait3A_32 = tpu.memref_squeeze %dma_wait3A_31 : memref<1x128xi32, #tpu.memory_space<vmem>> -> memref<128xi32, #tpu.memory_space<vmem>>
      %dma_wait3A_33 = arith.constant 0 : i32
      %dma_wait3A_34 = arith.constant 0 : i32
      %dma_wait3A_35 = tpu.memref_slice %arg2[%dma_wait3A_33, %dma_wait3A_34] : memref<10112x128xf32, #tpu.memory_space<hbm>> -> memref<10112x128xf32, #tpu.memory_space<hbm>>
      tpu.wait_indirect_dma semaphore(%arg12 : memref<!tpu.dma_semaphore, #tpu.memory_space<semaphore_mem>>) src(%dma_wait3A_35 : memref<10112x128xf32, #tpu.memory_space<hbm>>) dst(%arg9 : memref<128x128xf32, #tpu.memory_space<vmem>>)
      %add3A_36 = arith.constant 1 : i32
      %add3A_37 = arith.addi %mul3A_30, %add3A_36 : i32
      %dma_start3A_38 = arith.constant 0 : i32
      %dma_start3A_39 = tpu.memref_slice %arg7[%add3A_37, %dma_start3A_38] : memref<40x128xi32, #tpu.memory_space<vmem>> -> memref<1x128xi32, #tpu.memory_space<vmem>>
      %dma_start3A_40 = tpu.memref_squeeze %dma_start3A_39 : memref<1x128xi32, #tpu.memory_space<vmem>> -> memref<128xi32, #tpu.memory_space<vmem>>
      %dma_start3A_41 = arith.constant 0 : i32
      %dma_start3A_42 = arith.constant 0 : i32
      %dma_start3A_43 = tpu.memref_slice %arg2[%dma_start3A_41, %dma_start3A_42] : memref<10112x128xf32, #tpu.memory_space<hbm>> -> memref<10112x128xf32, #tpu.memory_space<hbm>>
      tpu.enqueue_indirect_dma source(%dma_start3A_43 : memref<10112x128xf32, #tpu.memory_space<hbm>>) target(%arg10 : memref<128x128xf32, #tpu.memory_space<vmem>>) offsets(%dma_start3A_40 : memref<128xi32, #tpu.memory_space<vmem>>) semaphore(%arg13 : memref<!tpu.dma_semaphore, #tpu.memory_space<semaphore_mem>>)
      "tpu.region"() ({
        %run_scoped3A = tpu.sem_alloc : memref<!tpu.dma_semaphore, #tpu.memory_space<semaphore_mem>>
        %dma_start3A_56 = arith.constant 0 : i32
        %dma_start3A_57 = tpu.memref_slice %arg8[%mul3A_30, %dma_start3A_56] : memref<40x128xi32, #tpu.memory_space<vmem>> -> memref<1x128xi32, #tpu.memory_space<vmem>>
        %dma_start3A_58 = tpu.memref_squeeze %dma_start3A_57 : memref<1x128xi32, #tpu.memory_space<vmem>> -> memref<128xi32, #tpu.memory_space<vmem>>
        %dma_start3A_59 = arith.constant 0 : i32
        %dma_start3A_60 = arith.constant 0 : i32
        %dma_start3A_61 = tpu.memref_slice %arg11[%dma_start3A_59, %dma_start3A_60] : memref<10112x128xf32, #tpu.memory_space<vmem_shared>> -> memref<10112x128xf32, #tpu.memory_space<vmem_shared>>
        tpu.enqueue_indirect_dma source(%arg9 : memref<128x128xf32, #tpu.memory_space<vmem>>) target(%dma_start3A_61 : memref<10112x128xf32, #tpu.memory_space<vmem_shared>>) offsets(%dma_start3A_58 : memref<128xi32, #tpu.memory_space<vmem>>) semaphore(%run_scoped3A : memref<!tpu.dma_semaphore, #tpu.memory_space<semaphore_mem>>) {add = true}
        %dma_wait3A_62 = arith.constant 0 : i32
        %dma_wait3A_63 = tpu.memref_slice %arg8[%mul3A_30, %dma_wait3A_62] : memref<40x128xi32, #tpu.memory_space<vmem>> -> memref<1x128xi32, #tpu.memory_space<vmem>>
        %dma_wait3A_64 = tpu.memref_squeeze %dma_wait3A_63 : memref<1x128xi32, #tpu.memory_space<vmem>> -> memref<128xi32, #tpu.memory_space<vmem>>
        %dma_wait3A_65 = arith.constant 0 : i32
        %dma_wait3A_66 = arith.constant 0 : i32
        %dma_wait3A_67 = tpu.memref_slice %arg11[%dma_wait3A_65, %dma_wait3A_66] : memref<10112x128xf32, #tpu.memory_space<vmem_shared>> -> memref<10112x128xf32, #tpu.memory_space<vmem_shared>>
        tpu.wait_indirect_dma semaphore(%run_scoped3A : memref<!tpu.dma_semaphore, #tpu.memory_space<semaphore_mem>>) src(%arg9 : memref<128x128xf32, #tpu.memory_space<vmem>>) dst(%dma_wait3A_67 : memref<10112x128xf32, #tpu.memory_space<vmem_shared>>)
        tpu.yield
      }) : () -> ()
      %add3A_44 = arith.constant 1 : i32
      %add3A_45 = arith.addi %mul3A_30, %add3A_44 : i32
      %dma_wait3A_46 = arith.constant 0 : i32
      %dma_wait3A_47 = tpu.memref_slice %arg7[%add3A_45, %dma_wait3A_46] : memref<40x128xi32, #tpu.memory_space<vmem>> -> memref<1x128xi32, #tpu.memory_space<vmem>>
      %dma_wait3A_48 = tpu.memref_squeeze %dma_wait3A_47 : memref<1x128xi32, #tpu.memory_space<vmem>> -> memref<128xi32, #tpu.memory_space<vmem>>
      %dma_wait3A_49 = arith.constant 0 : i32
      %dma_wait3A_50 = arith.constant 0 : i32
      %dma_wait3A_51 = tpu.memref_slice %arg2[%dma_wait3A_49, %dma_wait3A_50] : memref<10112x128xf32, #tpu.memory_space<hbm>> -> memref<10112x128xf32, #tpu.memory_space<hbm>>
      tpu.wait_indirect_dma semaphore(%arg13 : memref<!tpu.dma_semaphore, #tpu.memory_space<semaphore_mem>>) src(%dma_wait3A_51 : memref<10112x128xf32, #tpu.memory_space<hbm>>) dst(%arg10 : memref<128x128xf32, #tpu.memory_space<vmem>>)
      %lt3A = arith.constant 19 : i32
      %lt3A_52 = arith.cmpi slt, %scan3A_28, %lt3A : i32
      %convert_element_type3A = arith.extui %lt3A_52 : i1 to i32
      %cond3A = arith.constant 0 : i32
      %cond3A_53 = arith.cmpi ne, %convert_element_type3A, %cond3A : i32
      scf.if %cond3A_53 {
        %add3A_56 = arith.constant 2 : i32
        %add3A_57 = arith.addi %mul3A_30, %add3A_56 : i32
        %dma_start3A_58 = arith.constant 0 : i32
        %dma_start3A_59 = tpu.memref_slice %arg7[%add3A_57, %dma_start3A_58] : memref<40x128xi32, #tpu.memory_space<vmem>> -> memref<1x128xi32, #tpu.memory_space<vmem>>
        %dma_start3A_60 = tpu.memref_squeeze %dma_start3A_59 : memref<1x128xi32, #tpu.memory_space<vmem>> -> memref<128xi32, #tpu.memory_space<vmem>>
        %dma_start3A_61 = arith.constant 0 : i32
        %dma_start3A_62 = arith.constant 0 : i32
        %dma_start3A_63 = tpu.memref_slice %arg2[%dma_start3A_61, %dma_start3A_62] : memref<10112x128xf32, #tpu.memory_space<hbm>> -> memref<10112x128xf32, #tpu.memory_space<hbm>>
        tpu.enqueue_indirect_dma source(%dma_start3A_63 : memref<10112x128xf32, #tpu.memory_space<hbm>>) target(%arg9 : memref<128x128xf32, #tpu.memory_space<vmem>>) offsets(%dma_start3A_60 : memref<128xi32, #tpu.memory_space<vmem>>) semaphore(%arg12 : memref<!tpu.dma_semaphore, #tpu.memory_space<semaphore_mem>>)
      } else {
      }
      %add3A_54 = arith.constant 1 : i32
      %add3A_55 = arith.addi %mul3A_30, %add3A_54 : i32
      "tpu.region"() ({
        %run_scoped3A = tpu.sem_alloc : memref<!tpu.dma_semaphore, #tpu.memory_space<semaphore_mem>>
        %dma_start3A_56 = arith.constant 0 : i32
        %dma_start3A_57 = tpu.memref_slice %arg8[%add3A_55, %dma_start3A_56] : memref<40x128xi32, #tpu.memory_space<vmem>> -> memref<1x128xi32, #tpu.memory_space<vmem>>
        %dma_start3A_58 = tpu.memref_squeeze %dma_start3A_57 : memref<1x128xi32, #tpu.memory_space<vmem>> -> memref<128xi32, #tpu.memory_space<vmem>>
        %dma_start3A_59 = arith.constant 0 : i32
        %dma_start3A_60 = arith.constant 0 : i32
        %dma_start3A_61 = tpu.memref_slice %arg11[%dma_start3A_59, %dma_start3A_60] : memref<10112x128xf32, #tpu.memory_space<vmem_shared>> -> memref<10112x128xf32, #tpu.memory_space<vmem_shared>>
        tpu.enqueue_indirect_dma source(%arg10 : memref<128x128xf32, #tpu.memory_space<vmem>>) target(%dma_start3A_61 : memref<10112x128xf32, #tpu.memory_space<vmem_shared>>) offsets(%dma_start3A_58 : memref<128xi32, #tpu.memory_space<vmem>>) semaphore(%run_scoped3A : memref<!tpu.dma_semaphore, #tpu.memory_space<semaphore_mem>>) {add = true}
        %dma_wait3A_62 = arith.constant 0 : i32
        %dma_wait3A_63 = tpu.memref_slice %arg8[%add3A_55, %dma_wait3A_62] : memref<40x128xi32, #tpu.memory_space<vmem>> -> memref<1x128xi32, #tpu.memory_space<vmem>>
        %dma_wait3A_64 = tpu.memref_squeeze %dma_wait3A_63 : memref<1x128xi32, #tpu.memory_space<vmem>> -> memref<128xi32, #tpu.memory_space<vmem>>
        %dma_wait3A_65 = arith.constant 0 : i32
        %dma_wait3A_66 = arith.constant 0 : i32
        %dma_wait3A_67 = tpu.memref_slice %arg11[%dma_wait3A_65, %dma_wait3A_66] : memref<10112x128xf32, #tpu.memory_space<vmem_shared>> -> memref<10112x128xf32, #tpu.memory_space<vmem_shared>>
        tpu.wait_indirect_dma semaphore(%run_scoped3A : memref<!tpu.dma_semaphore, #tpu.memory_space<semaphore_mem>>) src(%arg10 : memref<128x128xf32, #tpu.memory_space<vmem>>) dst(%dma_wait3A_67 : memref<10112x128xf32, #tpu.memory_space<vmem_shared>>)
        tpu.yield
      }) : () -> ()
    }
    %scan3A_26 = arith.constant 20 : i32
    %barrier3A_27 = arith.constant 0 : index
    tpu.barrier barrier_id(%barrier3A_27)
    "tpu.region"() ({
      %run_scoped3A = tpu.sem_alloc : memref<!tpu.dma_semaphore, #tpu.memory_space<semaphore_mem>>
      %dma_start3A_28 = arith.constant 0 : i32
      %dma_start3A_29 = tpu.memref_slice %arg6[%arg0, %mul3A_0, %dma_start3A_28] : memref<2x10112x128xf32, #tpu.memory_space<hbm>> -> memref<1x632x128xf32, #tpu.memory_space<hbm>>
      %dma_start3A_30 = tpu.memref_squeeze %dma_start3A_29 : memref<1x632x128xf32, #tpu.memory_space<hbm>> -> memref<632x128xf32, #tpu.memory_space<hbm>>
      %dma_start3A_31 = arith.constant 0 : i32
      %dma_start3A_32 = tpu.memref_slice %arg11[%mul3A_0, %dma_start3A_31] : memref<10112x128xf32, #tpu.memory_space<vmem_shared>> -> memref<632x128xf32, #tpu.memory_space<vmem_shared>>
      tpu.enqueue_dma source(%dma_start3A_32 : memref<632x128xf32, #tpu.memory_space<vmem_shared>>) target(%dma_start3A_30 : memref<632x128xf32, #tpu.memory_space<hbm>>) target_semaphore(%run_scoped3A : memref<!tpu.dma_semaphore, #tpu.memory_space<semaphore_mem>>)
      %dma_wait3A = arith.constant 0 : i32
      %dma_wait3A_33 = tpu.memref_slice %arg6[%arg0, %mul3A_0, %dma_wait3A] : memref<2x10112x128xf32, #tpu.memory_space<hbm>> -> memref<1x632x128xf32, #tpu.memory_space<hbm>>
      %dma_wait3A_34 = tpu.memref_squeeze %dma_wait3A_33 : memref<1x632x128xf32, #tpu.memory_space<hbm>> -> memref<632x128xf32, #tpu.memory_space<hbm>>
      %dma_wait3A_35 = arith.constant 0 : i32
      %dma_wait3A_36 = tpu.memref_slice %arg11[%mul3A_0, %dma_wait3A_35] : memref<10112x128xf32, #tpu.memory_space<vmem_shared>> -> memref<632x128xf32, #tpu.memory_space<vmem_shared>>
      tpu.wait_dma2 semaphore(%run_scoped3A : memref<!tpu.dma_semaphore, #tpu.memory_space<semaphore_mem>>) src(%dma_wait3A_36 : memref<632x128xf32, #tpu.memory_space<vmem_shared>>) dst(%dma_wait3A_34 : memref<632x128xf32, #tpu.memory_space<hbm>>)
      tpu.yield
    }) : () -> ()
    return
  }
}

#map = affine_map<(d0, d1) -> (0, 0, 0)>
#map1 = affine_map<(d0, d1) -> (0)>
module attributes {stable_mosaic.version = 14 : i64} {
  func.func @_deg_body(%arg0: i32, %arg1: i32, %arg2: memref<32x80x128xi32, #tpu.memory_space<hbm>>, %arg3: memref<32x80x128xi32, #tpu.memory_space<hbm>>, %arg4: memref<10368xf32, #tpu.memory_space<hbm>>, %arg5: memref<2x2x10240xf32, #tpu.memory_space<hbm>>, %arg6: memref<80x128xi32, #tpu.memory_space<vmem>>, %arg7: memref<80x128xi32, #tpu.memory_space<vmem>>, %arg8: memref<128xf32, #tpu.memory_space<vmem>>, %arg9: memref<10240xf32, #tpu.memory_space<vmem_shared>>, %arg10: memref<10240xf32, #tpu.memory_space<vmem_shared>>) attributes {dimension_semantics = [#tpu.dimension_semantics<core_parallel>, #tpu.dimension_semantics<subcore_parallel>], iteration_bounds = array<i64: 2, 16>, scalar_prefetch = 0 : i64, scratch_operands = 5 : i64, tpu.core_type = #tpu.core_type<sc_vector_subcore>, window_params = [{transform_indices = #map}, {transform_indices = #map}, {transform_indices = #map1}, {transform_indices = #map}]} {
    %mul3A = arith.constant 640 : i32
    %mul3A_0 = arith.muli %arg1, %mul3A : i32
    "tpu.region"() ({
      %run_scoped3A_10 = tpu.sem_alloc : memref<!tpu.dma_semaphore, #tpu.memory_space<semaphore_mem>>
      %dma_start3A = tpu.memref_slice %arg9[%mul3A_0] : memref<10240xf32, #tpu.memory_space<vmem_shared>> -> memref<640xf32, #tpu.memory_space<vmem_shared>>
      %dma_start3A_11 = tpu.memref_slice %arg4[%mul3A_0] : memref<10368xf32, #tpu.memory_space<hbm>> -> memref<640xf32, #tpu.memory_space<hbm>>
      tpu.enqueue_dma source(%dma_start3A_11 : memref<640xf32, #tpu.memory_space<hbm>>) target(%dma_start3A : memref<640xf32, #tpu.memory_space<vmem_shared>>) target_semaphore(%run_scoped3A_10 : memref<!tpu.dma_semaphore, #tpu.memory_space<semaphore_mem>>)
      %dma_wait3A = tpu.memref_slice %arg9[%mul3A_0] : memref<10240xf32, #tpu.memory_space<vmem_shared>> -> memref<640xf32, #tpu.memory_space<vmem_shared>>
      %dma_wait3A_12 = tpu.memref_slice %arg4[%mul3A_0] : memref<10368xf32, #tpu.memory_space<hbm>> -> memref<640xf32, #tpu.memory_space<hbm>>
      tpu.wait_dma2 semaphore(%run_scoped3A_10 : memref<!tpu.dma_semaphore, #tpu.memory_space<semaphore_mem>>) src(%dma_wait3A_12 : memref<640xf32, #tpu.memory_space<hbm>>) dst(%dma_wait3A : memref<640xf32, #tpu.memory_space<vmem_shared>>)
      tpu.yield
    }) : () -> ()
    "tpu.region"() ({
      %run_scoped3A_10 = tpu.sem_alloc : memref<!tpu.dma_semaphore, #tpu.memory_space<semaphore_mem>>
      %dma_start3A = tpu.memref_slice %arg10[%mul3A_0] : memref<10240xf32, #tpu.memory_space<vmem_shared>> -> memref<640xf32, #tpu.memory_space<vmem_shared>>
      %dma_start3A_11 = tpu.memref_slice %arg4[%mul3A_0] : memref<10368xf32, #tpu.memory_space<hbm>> -> memref<640xf32, #tpu.memory_space<hbm>>
      tpu.enqueue_dma source(%dma_start3A_11 : memref<640xf32, #tpu.memory_space<hbm>>) target(%dma_start3A : memref<640xf32, #tpu.memory_space<vmem_shared>>) target_semaphore(%run_scoped3A_10 : memref<!tpu.dma_semaphore, #tpu.memory_space<semaphore_mem>>)
      %dma_wait3A = tpu.memref_slice %arg10[%mul3A_0] : memref<10240xf32, #tpu.memory_space<vmem_shared>> -> memref<640xf32, #tpu.memory_space<vmem_shared>>
      %dma_wait3A_12 = tpu.memref_slice %arg4[%mul3A_0] : memref<10368xf32, #tpu.memory_space<hbm>> -> memref<640xf32, #tpu.memory_space<hbm>>
      tpu.wait_dma2 semaphore(%run_scoped3A_10 : memref<!tpu.dma_semaphore, #tpu.memory_space<semaphore_mem>>) src(%dma_wait3A_12 : memref<640xf32, #tpu.memory_space<hbm>>) dst(%dma_wait3A : memref<640xf32, #tpu.memory_space<vmem_shared>>)
      tpu.yield
    }) : () -> ()
    "tpu.region"() ({
      %run_scoped3A_10 = tpu.sem_alloc : memref<!tpu.dma_semaphore, #tpu.memory_space<semaphore_mem>>
      %dma_start3A = arith.constant 10240 : i32
      %dma_start3A_11 = tpu.memref_slice %arg4[%dma_start3A] : memref<10368xf32, #tpu.memory_space<hbm>> -> memref<128xf32, #tpu.memory_space<hbm>>
      %dma_start3A_12 = arith.constant 10240 : i32
      %dma_start3A_13 = tpu.memref_slice %arg4[%dma_start3A_12] : memref<10368xf32, #tpu.memory_space<hbm>> -> memref<128xf32, #tpu.memory_space<hbm>>
      tpu.enqueue_dma source(%dma_start3A_13 : memref<128xf32, #tpu.memory_space<hbm>>) target(%arg8 : memref<128xf32, #tpu.memory_space<vmem>>) target_semaphore(%run_scoped3A_10 : memref<!tpu.dma_semaphore, #tpu.memory_space<semaphore_mem>>)
      %dma_wait3A = arith.constant 10240 : i32
      %dma_wait3A_14 = tpu.memref_slice %arg4[%dma_wait3A] : memref<10368xf32, #tpu.memory_space<hbm>> -> memref<128xf32, #tpu.memory_space<hbm>>
      %dma_wait3A_15 = arith.constant 10240 : i32
      %dma_wait3A_16 = tpu.memref_slice %arg4[%dma_wait3A_15] : memref<10368xf32, #tpu.memory_space<hbm>> -> memref<128xf32, #tpu.memory_space<hbm>>
      tpu.wait_dma2 semaphore(%run_scoped3A_10 : memref<!tpu.dma_semaphore, #tpu.memory_space<semaphore_mem>>) src(%dma_wait3A_16 : memref<128xf32, #tpu.memory_space<hbm>>) dst(%arg8 : memref<128xf32, #tpu.memory_space<vmem>>)
      tpu.yield
    }) : () -> ()
    %mul3A_1 = arith.constant 16 : i32
    %mul3A_2 = arith.muli %arg0, %mul3A_1 : i32
    %add3A = arith.addi %mul3A_2, %arg1 : i32
    "tpu.region"() ({
      %run_scoped3A_10 = tpu.sem_alloc : memref<!tpu.dma_semaphore, #tpu.memory_space<semaphore_mem>>
      %dma_start3A = arith.constant 0 : i32
      %dma_start3A_11 = arith.constant 0 : i32
      %dma_start3A_12 = tpu.memref_slice %arg2[%add3A, %dma_start3A, %dma_start3A_11] : memref<32x80x128xi32, #tpu.memory_space<hbm>> -> memref<1x80x128xi32, #tpu.memory_space<hbm>>
      %dma_start3A_13 = tpu.memref_squeeze %dma_start3A_12 : memref<1x80x128xi32, #tpu.memory_space<hbm>> -> memref<80x128xi32, #tpu.memory_space<hbm>>
      %dma_start3A_14 = arith.constant 0 : i32
      %dma_start3A_15 = arith.constant 0 : i32
      %dma_start3A_16 = tpu.memref_slice %arg2[%add3A, %dma_start3A_14, %dma_start3A_15] : memref<32x80x128xi32, #tpu.memory_space<hbm>> -> memref<1x80x128xi32, #tpu.memory_space<hbm>>
      %dma_start3A_17 = tpu.memref_squeeze %dma_start3A_16 : memref<1x80x128xi32, #tpu.memory_space<hbm>> -> memref<80x128xi32, #tpu.memory_space<hbm>>
      tpu.enqueue_dma source(%dma_start3A_17 : memref<80x128xi32, #tpu.memory_space<hbm>>) target(%arg6 : memref<80x128xi32, #tpu.memory_space<vmem>>) target_semaphore(%run_scoped3A_10 : memref<!tpu.dma_semaphore, #tpu.memory_space<semaphore_mem>>)
      %dma_wait3A = arith.constant 0 : i32
      %dma_wait3A_18 = arith.constant 0 : i32
      %dma_wait3A_19 = tpu.memref_slice %arg2[%add3A, %dma_wait3A, %dma_wait3A_18] : memref<32x80x128xi32, #tpu.memory_space<hbm>> -> memref<1x80x128xi32, #tpu.memory_space<hbm>>
      %dma_wait3A_20 = tpu.memref_squeeze %dma_wait3A_19 : memref<1x80x128xi32, #tpu.memory_space<hbm>> -> memref<80x128xi32, #tpu.memory_space<hbm>>
      %dma_wait3A_21 = arith.constant 0 : i32
      %dma_wait3A_22 = arith.constant 0 : i32
      %dma_wait3A_23 = tpu.memref_slice %arg2[%add3A, %dma_wait3A_21, %dma_wait3A_22] : memref<32x80x128xi32, #tpu.memory_space<hbm>> -> memref<1x80x128xi32, #tpu.memory_space<hbm>>
      %dma_wait3A_24 = tpu.memref_squeeze %dma_wait3A_23 : memref<1x80x128xi32, #tpu.memory_space<hbm>> -> memref<80x128xi32, #tpu.memory_space<hbm>>
      tpu.wait_dma2 semaphore(%run_scoped3A_10 : memref<!tpu.dma_semaphore, #tpu.memory_space<semaphore_mem>>) src(%dma_wait3A_24 : memref<80x128xi32, #tpu.memory_space<hbm>>) dst(%arg6 : memref<80x128xi32, #tpu.memory_space<vmem>>)
      tpu.yield
    }) : () -> ()
    "tpu.region"() ({
      %run_scoped3A_10 = tpu.sem_alloc : memref<!tpu.dma_semaphore, #tpu.memory_space<semaphore_mem>>
      %dma_start3A = arith.constant 0 : i32
      %dma_start3A_11 = arith.constant 0 : i32
      %dma_start3A_12 = tpu.memref_slice %arg3[%add3A, %dma_start3A, %dma_start3A_11] : memref<32x80x128xi32, #tpu.memory_space<hbm>> -> memref<1x80x128xi32, #tpu.memory_space<hbm>>
      %dma_start3A_13 = tpu.memref_squeeze %dma_start3A_12 : memref<1x80x128xi32, #tpu.memory_space<hbm>> -> memref<80x128xi32, #tpu.memory_space<hbm>>
      %dma_start3A_14 = arith.constant 0 : i32
      %dma_start3A_15 = arith.constant 0 : i32
      %dma_start3A_16 = tpu.memref_slice %arg3[%add3A, %dma_start3A_14, %dma_start3A_15] : memref<32x80x128xi32, #tpu.memory_space<hbm>> -> memref<1x80x128xi32, #tpu.memory_space<hbm>>
      %dma_start3A_17 = tpu.memref_squeeze %dma_start3A_16 : memref<1x80x128xi32, #tpu.memory_space<hbm>> -> memref<80x128xi32, #tpu.memory_space<hbm>>
      tpu.enqueue_dma source(%dma_start3A_17 : memref<80x128xi32, #tpu.memory_space<hbm>>) target(%arg7 : memref<80x128xi32, #tpu.memory_space<vmem>>) target_semaphore(%run_scoped3A_10 : memref<!tpu.dma_semaphore, #tpu.memory_space<semaphore_mem>>)
      %dma_wait3A = arith.constant 0 : i32
      %dma_wait3A_18 = arith.constant 0 : i32
      %dma_wait3A_19 = tpu.memref_slice %arg3[%add3A, %dma_wait3A, %dma_wait3A_18] : memref<32x80x128xi32, #tpu.memory_space<hbm>> -> memref<1x80x128xi32, #tpu.memory_space<hbm>>
      %dma_wait3A_20 = tpu.memref_squeeze %dma_wait3A_19 : memref<1x80x128xi32, #tpu.memory_space<hbm>> -> memref<80x128xi32, #tpu.memory_space<hbm>>
      %dma_wait3A_21 = arith.constant 0 : i32
      %dma_wait3A_22 = arith.constant 0 : i32
      %dma_wait3A_23 = tpu.memref_slice %arg3[%add3A, %dma_wait3A_21, %dma_wait3A_22] : memref<32x80x128xi32, #tpu.memory_space<hbm>> -> memref<1x80x128xi32, #tpu.memory_space<hbm>>
      %dma_wait3A_24 = tpu.memref_squeeze %dma_wait3A_23 : memref<1x80x128xi32, #tpu.memory_space<hbm>> -> memref<80x128xi32, #tpu.memory_space<hbm>>
      tpu.wait_dma2 semaphore(%run_scoped3A_10 : memref<!tpu.dma_semaphore, #tpu.memory_space<semaphore_mem>>) src(%dma_wait3A_24 : memref<80x128xi32, #tpu.memory_space<hbm>>) dst(%arg7 : memref<80x128xi32, #tpu.memory_space<vmem>>)
      tpu.yield
    }) : () -> ()
    %barrier3A = arith.constant 0 : index
    tpu.barrier barrier_id(%barrier3A)
    %scan3A = arith.constant 0 : i32
    %scan3A_3 = arith.constant 0 : i32
    %scan3A_4 = arith.constant 80 : i32
    %scan3A_5 = arith.addi %scan3A_3, %scan3A_4 : i32
    %scan3A_6 = arith.constant 1 : i32
    scf.for %scan3A_10 = %scan3A_3 to %scan3A_5 step %scan3A_6  : i32 {
      "tpu.region"() ({
        %run_scoped3A_11 = tpu.sem_alloc : memref<!tpu.dma_semaphore, #tpu.memory_space<semaphore_mem>>
        %dma_start3A = arith.constant 0 : i32
        %dma_start3A_12 = tpu.memref_slice %arg6[%scan3A_10, %dma_start3A] : memref<80x128xi32, #tpu.memory_space<vmem>> -> memref<1x128xi32, #tpu.memory_space<vmem>>
        %dma_start3A_13 = tpu.memref_squeeze %dma_start3A_12 : memref<1x128xi32, #tpu.memory_space<vmem>> -> memref<128xi32, #tpu.memory_space<vmem>>
        %dma_start3A_14 = arith.constant 0 : i32
        %dma_start3A_15 = tpu.memref_slice %arg9[%dma_start3A_14] : memref<10240xf32, #tpu.memory_space<vmem_shared>> -> memref<10240xf32, #tpu.memory_space<vmem_shared>>
        tpu.enqueue_indirect_dma source(%arg8 : memref<128xf32, #tpu.memory_space<vmem>>) target(%dma_start3A_15 : memref<10240xf32, #tpu.memory_space<vmem_shared>>) offsets(%dma_start3A_13 : memref<128xi32, #tpu.memory_space<vmem>>) semaphore(%run_scoped3A_11 : memref<!tpu.dma_semaphore, #tpu.memory_space<semaphore_mem>>) {add = true}
        %dma_wait3A = arith.constant 0 : i32
        %dma_wait3A_16 = tpu.memref_slice %arg6[%scan3A_10, %dma_wait3A] : memref<80x128xi32, #tpu.memory_space<vmem>> -> memref<1x128xi32, #tpu.memory_space<vmem>>
        %dma_wait3A_17 = tpu.memref_squeeze %dma_wait3A_16 : memref<1x128xi32, #tpu.memory_space<vmem>> -> memref<128xi32, #tpu.memory_space<vmem>>
        %dma_wait3A_18 = arith.constant 0 : i32
        %dma_wait3A_19 = tpu.memref_slice %arg9[%dma_wait3A_18] : memref<10240xf32, #tpu.memory_space<vmem_shared>> -> memref<10240xf32, #tpu.memory_space<vmem_shared>>
        tpu.wait_indirect_dma semaphore(%run_scoped3A_11 : memref<!tpu.dma_semaphore, #tpu.memory_space<semaphore_mem>>) src(%arg8 : memref<128xf32, #tpu.memory_space<vmem>>) dst(%dma_wait3A_19 : memref<10240xf32, #tpu.memory_space<vmem_shared>>)
        tpu.yield
      }) : () -> ()
      "tpu.region"() ({
        %run_scoped3A_11 = tpu.sem_alloc : memref<!tpu.dma_semaphore, #tpu.memory_space<semaphore_mem>>
        %dma_start3A = arith.constant 0 : i32
        %dma_start3A_12 = tpu.memref_slice %arg7[%scan3A_10, %dma_start3A] : memref<80x128xi32, #tpu.memory_space<vmem>> -> memref<1x128xi32, #tpu.memory_space<vmem>>
        %dma_start3A_13 = tpu.memref_squeeze %dma_start3A_12 : memref<1x128xi32, #tpu.memory_space<vmem>> -> memref<128xi32, #tpu.memory_space<vmem>>
        %dma_start3A_14 = arith.constant 0 : i32
        %dma_start3A_15 = tpu.memref_slice %arg10[%dma_start3A_14] : memref<10240xf32, #tpu.memory_space<vmem_shared>> -> memref<10240xf32, #tpu.memory_space<vmem_shared>>
        tpu.enqueue_indirect_dma source(%arg8 : memref<128xf32, #tpu.memory_space<vmem>>) target(%dma_start3A_15 : memref<10240xf32, #tpu.memory_space<vmem_shared>>) offsets(%dma_start3A_13 : memref<128xi32, #tpu.memory_space<vmem>>) semaphore(%run_scoped3A_11 : memref<!tpu.dma_semaphore, #tpu.memory_space<semaphore_mem>>) {add = true}
        %dma_wait3A = arith.constant 0 : i32
        %dma_wait3A_16 = tpu.memref_slice %arg7[%scan3A_10, %dma_wait3A] : memref<80x128xi32, #tpu.memory_space<vmem>> -> memref<1x128xi32, #tpu.memory_space<vmem>>
        %dma_wait3A_17 = tpu.memref_squeeze %dma_wait3A_16 : memref<1x128xi32, #tpu.memory_space<vmem>> -> memref<128xi32, #tpu.memory_space<vmem>>
        %dma_wait3A_18 = arith.constant 0 : i32
        %dma_wait3A_19 = tpu.memref_slice %arg10[%dma_wait3A_18] : memref<10240xf32, #tpu.memory_space<vmem_shared>> -> memref<10240xf32, #tpu.memory_space<vmem_shared>>
        tpu.wait_indirect_dma semaphore(%run_scoped3A_11 : memref<!tpu.dma_semaphore, #tpu.memory_space<semaphore_mem>>) src(%arg8 : memref<128xf32, #tpu.memory_space<vmem>>) dst(%dma_wait3A_19 : memref<10240xf32, #tpu.memory_space<vmem_shared>>)
        tpu.yield
      }) : () -> ()
    }
    %scan3A_7 = arith.constant 80 : i32
    %barrier3A_8 = arith.constant 0 : index
    tpu.barrier barrier_id(%barrier3A_8)
    %run_scoped3A = arith.constant 0 : i32
    "tpu.region"() ({
      %run_scoped3A_10 = tpu.sem_alloc : memref<!tpu.dma_semaphore, #tpu.memory_space<semaphore_mem>>
      %dma_start3A = tpu.memref_slice %arg5[%arg0, %run_scoped3A, %mul3A_0] : memref<2x2x10240xf32, #tpu.memory_space<hbm>> -> memref<1x1x640xf32, #tpu.memory_space<hbm>>
      %dma_start3A_11 = tpu.memref_squeeze %dma_start3A : memref<1x1x640xf32, #tpu.memory_space<hbm>> -> memref<640xf32, #tpu.memory_space<hbm>>
      %dma_start3A_12 = tpu.memref_slice %arg9[%mul3A_0] : memref<10240xf32, #tpu.memory_space<vmem_shared>> -> memref<640xf32, #tpu.memory_space<vmem_shared>>
      tpu.enqueue_dma source(%dma_start3A_12 : memref<640xf32, #tpu.memory_space<vmem_shared>>) target(%dma_start3A_11 : memref<640xf32, #tpu.memory_space<hbm>>) target_semaphore(%run_scoped3A_10 : memref<!tpu.dma_semaphore, #tpu.memory_space<semaphore_mem>>)
      %dma_wait3A = tpu.memref_slice %arg5[%arg0, %run_scoped3A, %mul3A_0] : memref<2x2x10240xf32, #tpu.memory_space<hbm>> -> memref<1x1x640xf32, #tpu.memory_space<hbm>>
      %dma_wait3A_13 = tpu.memref_squeeze %dma_wait3A : memref<1x1x640xf32, #tpu.memory_space<hbm>> -> memref<640xf32, #tpu.memory_space<hbm>>
      %dma_wait3A_14 = tpu.memref_slice %arg9[%mul3A_0] : memref<10240xf32, #tpu.memory_space<vmem_shared>> -> memref<640xf32, #tpu.memory_space<vmem_shared>>
      tpu.wait_dma2 semaphore(%run_scoped3A_10 : memref<!tpu.dma_semaphore, #tpu.memory_space<semaphore_mem>>) src(%dma_wait3A_14 : memref<640xf32, #tpu.memory_space<vmem_shared>>) dst(%dma_wait3A_13 : memref<640xf32, #tpu.memory_space<hbm>>)
      tpu.yield
    }) : () -> ()
    %run_scoped3A_9 = arith.constant 1 : i32
    "tpu.region"() ({
      %run_scoped3A_10 = tpu.sem_alloc : memref<!tpu.dma_semaphore, #tpu.memory_space<semaphore_mem>>
      %dma_start3A = tpu.memref_slice %arg5[%arg0, %run_scoped3A_9, %mul3A_0] : memref<2x2x10240xf32, #tpu.memory_space<hbm>> -> memref<1x1x640xf32, #tpu.memory_space<hbm>>
      %dma_start3A_11 = tpu.memref_squeeze %dma_start3A : memref<1x1x640xf32, #tpu.memory_space<hbm>> -> memref<640xf32, #tpu.memory_space<hbm>>
      %dma_start3A_12 = tpu.memref_slice %arg10[%mul3A_0] : memref<10240xf32, #tpu.memory_space<vmem_shared>> -> memref<640xf32, #tpu.memory_space<vmem_shared>>
      tpu.enqueue_dma source(%dma_start3A_12 : memref<640xf32, #tpu.memory_space<vmem_shared>>) target(%dma_start3A_11 : memref<640xf32, #tpu.memory_space<hbm>>) target_semaphore(%run_scoped3A_10 : memref<!tpu.dma_semaphore, #tpu.memory_space<semaphore_mem>>)
      %dma_wait3A = tpu.memref_slice %arg5[%arg0, %run_scoped3A_9, %mul3A_0] : memref<2x2x10240xf32, #tpu.memory_space<hbm>> -> memref<1x1x640xf32, #tpu.memory_space<hbm>>
      %dma_wait3A_13 = tpu.memref_squeeze %dma_wait3A : memref<1x1x640xf32, #tpu.memory_space<hbm>> -> memref<640xf32, #tpu.memory_space<hbm>>
      %dma_wait3A_14 = tpu.memref_slice %arg10[%mul3A_0] : memref<10240xf32, #tpu.memory_space<vmem_shared>> -> memref<640xf32, #tpu.memory_space<vmem_shared>>
      tpu.wait_dma2 semaphore(%run_scoped3A_10 : memref<!tpu.dma_semaphore, #tpu.memory_space<semaphore_mem>>) src(%dma_wait3A_14 : memref<640xf32, #tpu.memory_space<vmem_shared>>) dst(%dma_wait3A_13 : memref<640xf32, #tpu.memory_space<hbm>>)
      tpu.yield
    }) : () -> ()
    return
  }
}

module attributes {stable_mosaic.version = 14 : i64} {
  func.func @_scale_body(%arg0: memref<10000x128xf32, #tpu.memory_space<vmem>>, %arg1: memref<10240x4xf32, #tpu.memory_space<vmem>>, %arg2: memref<10112x128xf32, #tpu.memory_space<vmem>>) attributes {dimension_semantics = [], scalar_prefetch = 0 : i64, scratch_operands = 0 : i64, tpu.core_type = #tpu.core_type<tc>} {
    %get3A = arith.constant 0 : index
    %get3A_0 = arith.constant 0 : index
    %get3A_1 = vector.load %arg1[%get3A, %get3A_0] : memref<10240x4xf32, #tpu.memory_space<vmem>>, vector<10240x4xf32>
    %slice3A = vector.extract_strided_slice %get3A_1 {offsets = [0, 0], sizes = [10240, 1], strides = [1, 1]} : vector<10240x4xf32> to vector<10240x1xf32>
    %slice3A_2 = vector.extract_strided_slice %get3A_1 {offsets = [0, 2], sizes = [10240, 1], strides = [1, 1]} : vector<10240x4xf32> to vector<10240x1xf32>
    %add3A = arith.addf %slice3A, %slice3A_2 : vector<10240x1xf32>
    %max3A = arith.constant 1.000000e+00 : f32
    %max3A_3 = vector.broadcast %max3A : f32 to vector<10240x1xf32>
    %max3A_4 = arith.maximumf %add3A, %max3A_3 : vector<10240x1xf32>
    %rsqrt3A = math.rsqrt %max3A_4 : vector<10240x1xf32>
    %get3A_5 = arith.constant 0 : index
    %get3A_6 = arith.constant 0 : index
    %get3A_7 = vector.load %arg0[%get3A_5, %get3A_6] : memref<10000x128xf32, #tpu.memory_space<vmem>>, vector<10000x128xf32>
    %slice3A_8 = vector.extract_strided_slice %rsqrt3A {offsets = [0, 0], sizes = [10000, 1], strides = [1, 1]} : vector<10240x1xf32> to vector<10000x1xf32>
    %mul3A = vector.broadcast %slice3A_8 : vector<10000x1xf32> to vector<10000x128xf32>
    %mul3A_9 = arith.mulf %get3A_7, %mul3A : vector<10000x128xf32>
    %swap3A = arith.constant 0 : index
    %swap3A_10 = arith.constant 0 : index
    %swap3A_11 = vector.load %arg2[%swap3A, %swap3A_10] : memref<10112x128xf32, #tpu.memory_space<vmem>>, vector<10000x128xf32>
    tpu.vector_store %arg2[%swap3A, %swap3A_10], %mul3A_9 {strides = array<i32>} : memref<10112x128xf32, #tpu.memory_space<vmem>>, vector<10000x128xf32>,
    %broadcast_in_dim3A = arith.constant 0.000000e+00 : f32
    %broadcast_in_dim3A_12 = vector.broadcast %broadcast_in_dim3A : f32 to vector<112x128xf32>
    %swap3A_13 = arith.constant 10000 : index
    %swap3A_14 = arith.constant 0 : index
    %swap3A_15 = vector.load %arg2[%swap3A_13, %swap3A_14] : memref<10112x128xf32, #tpu.memory_space<vmem>>, vector<112x128xf32>
    tpu.vector_store %arg2[%swap3A_13, %swap3A_14], %broadcast_in_dim3A_12 {strides = array<i32>} : memref<10112x128xf32, #tpu.memory_space<vmem>>, vector<112x128xf32>,
    return
  }
}

module attributes {stable_mosaic.version = 14 : i64} {
  func.func @_final_body(%arg0: memref<2x10112x128xf32, #tpu.memory_space<vmem>>, %arg1: memref<10240x4xf32, #tpu.memory_space<vmem>>, %arg2: memref<10000x128xf32, #tpu.memory_space<vmem>>, %arg3: memref<128x128xf32, #tpu.memory_space<vmem>>, %arg4: memref<2x1xf32, #tpu.memory_space<vmem>>, %arg5: memref<10000x128xf32, #tpu.memory_space<vmem>>) attributes {dimension_semantics = [], scalar_prefetch = 0 : i64, scratch_operands = 0 : i64, tpu.core_type = #tpu.core_type<tc>} {
    %get3A = arith.constant 0 : index
    %get3A_0 = arith.constant 0 : index
    %get3A_1 = vector.load %arg1[%get3A, %get3A_0] : memref<10240x4xf32, #tpu.memory_space<vmem>>, vector<10240x4xf32>
    %slice3A = vector.extract_strided_slice %get3A_1 {offsets = [0, 1], sizes = [10240, 1], strides = [1, 1]} : vector<10240x4xf32> to vector<10240x1xf32>
    %slice3A_2 = vector.extract_strided_slice %get3A_1 {offsets = [0, 3], sizes = [10240, 1], strides = [1, 1]} : vector<10240x4xf32> to vector<10240x1xf32>
    %add3A = arith.addf %slice3A, %slice3A_2 : vector<10240x1xf32>
    %max3A = arith.constant 1.000000e+00 : f32
    %max3A_3 = vector.broadcast %max3A : f32 to vector<10240x1xf32>
    %max3A_4 = arith.maximumf %add3A, %max3A_3 : vector<10240x1xf32>
    %rsqrt3A = math.rsqrt %max3A_4 : vector<10240x1xf32>
    %slice3A_5 = vector.extract_strided_slice %rsqrt3A {offsets = [0, 0], sizes = [10000, 1], strides = [1, 1]} : vector<10240x1xf32> to vector<10000x1xf32>
    %get3A_6 = arith.constant 0 : index
    %get3A_7 = arith.constant 0 : index
    %get3A_8 = arith.constant 0 : index
    %get3A_9 = vector.load %arg0[%get3A_6, %get3A_7, %get3A_8] : memref<2x10112x128xf32, #tpu.memory_space<vmem>>, vector<1x10000x128xf32>
    %get3A_10 = vector.shape_cast %get3A_9 : vector<1x10000x128xf32> to vector<10000x128xf32>
    %get3A_11 = arith.constant 1 : index
    %get3A_12 = arith.constant 0 : index
    %get3A_13 = arith.constant 0 : index
    %get3A_14 = vector.load %arg0[%get3A_11, %get3A_12, %get3A_13] : memref<2x10112x128xf32, #tpu.memory_space<vmem>>, vector<1x10000x128xf32>
    %get3A_15 = vector.shape_cast %get3A_14 : vector<1x10000x128xf32> to vector<10000x128xf32>
    %add3A_16 = arith.addf %get3A_10, %get3A_15 : vector<10000x128xf32>
    %get3A_17 = arith.constant 0 : index
    %get3A_18 = arith.constant 0 : index
    %get3A_19 = vector.load %arg4[%get3A_17, %get3A_18] : memref<2x1xf32, #tpu.memory_space<vmem>>, vector<1x1xf32>
    %get3A_20 = arith.constant 1 : index
    %get3A_21 = arith.constant 0 : index
    %get3A_22 = vector.load %arg4[%get3A_20, %get3A_21] : memref<2x1xf32, #tpu.memory_space<vmem>>, vector<1x1xf32>
    %sub3A = arith.constant 1.000000e+00 : f32
    %sub3A_23 = vector.broadcast %sub3A : f32 to vector<1x1xf32>
    %sub3A_24 = arith.subf %sub3A_23, %get3A_19 : vector<1x1xf32>
    %mul3A = vector.broadcast %slice3A_5 : vector<10000x1xf32> to vector<10000x128xf32>
    %mul3A_25 = arith.mulf %add3A_16, %mul3A : vector<10000x128xf32>
    %mul3A_26 = vector.broadcast %sub3A_24 : vector<1x1xf32> to vector<10000x128xf32>
    %mul3A_27 = arith.mulf %mul3A_26, %mul3A_25 : vector<10000x128xf32>
    %get3A_28 = arith.constant 0 : index
    %get3A_29 = arith.constant 0 : index
    %get3A_30 = vector.load %arg2[%get3A_28, %get3A_29] : memref<10000x128xf32, #tpu.memory_space<vmem>>, vector<10000x128xf32>
    %mul3A_31 = vector.broadcast %get3A_19 : vector<1x1xf32> to vector<10000x128xf32>
    %mul3A_32 = arith.mulf %mul3A_31, %get3A_30 : vector<10000x128xf32>
    %add3A_33 = arith.addf %mul3A_27, %mul3A_32 : vector<10000x128xf32>
    %get3A_34 = arith.constant 0 : index
    %get3A_35 = arith.constant 0 : index
    %get3A_36 = vector.load %arg3[%get3A_34, %get3A_35] : memref<128x128xf32, #tpu.memory_space<vmem>>, vector<128x128xf32>
    %dot_general3A = arith.constant dense<0.000000e+00> : vector<10000x128xf32>
    %dot_general3A_37 = tpu.matmul %add3A_33, %get3A_36, %dot_general3A {dimension_numbers = #tpu.dot_dimension_numbers<[1], [0], [0], [1], [0, 0, 1, 1], [], []>, transpose_lhs_hint = false} : vector<10000x128xf32>, vector<128x128xf32>, vector<10000x128xf32> -> vector<10000x128xf32>
    %mul3A_38 = vector.broadcast %get3A_22 : vector<1x1xf32> to vector<10000x128xf32>
    %mul3A_39 = arith.mulf %mul3A_38, %dot_general3A_37 : vector<10000x128xf32>
    %sub3A_40 = arith.constant 1.000000e+00 : f32
    %sub3A_41 = vector.broadcast %sub3A_40 : f32 to vector<1x1xf32>
    %sub3A_42 = arith.subf %sub3A_41, %get3A_22 : vector<1x1xf32>
    %mul3A_43 = vector.broadcast %sub3A_42 : vector<1x1xf32> to vector<10000x128xf32>
    %mul3A_44 = arith.mulf %mul3A_43, %add3A_33 : vector<10000x128xf32>
    %add3A_45 = arith.addf %mul3A_39, %mul3A_44 : vector<10000x128xf32>
    %swap3A = arith.constant 0 : index
    %swap3A_46 = arith.constant 0 : index
    %swap3A_47 = vector.load %arg5[%swap3A, %swap3A_46] : memref<10000x128xf32, #tpu.memory_space<vmem>>, vector<10000x128xf32>
    tpu.vector_store %arg5[%swap3A, %swap3A_46], %add3A_45 {strides = array<i32>} : memref<10000x128xf32, #tpu.memory_space<vmem>>, vector<10000x128xf32>,
    return
  }
}

</mosaic_0001>

<sc_bundles>
// kernel: kernel.6.cloned.1.call-start
scs
__scs_entry_jumppad:
0x0: {  	(pc) =	sbr.rel $0x88, $3  }
0x1: {  	(tag) =	ssettag $0x0;
	lr =	simm.s32 $0x1  }
0x2: {  	[smem:$0x3F9A] =	sst lr;
	_ =	strace $0xD0000000  }
0x3: {  	_ = 	snop  }
0x4: {  	_ = 	snop  }
0x5: {  	_ = 	snop  }
0x6: {  	_ = 	snop  }
0x7: {  	_ = 	snop  }
__scs_overlays_trampoline_lowered:
0x8: {  	[smem:$0x3FA9] =	sst s0  }
0x9: {  	[smem:$0x3FAA] =	sst s1  }
0xa: {  	[smem:$0x3FAB] =	sst s2  }
0xb: {  	[smem:$0x3FAC] =	sst s3  }
0xc: {  	[smem:$0x3FAD] =	sst s4  }
0xd: {  	[smem:$0x3FAE] =	sst s5  }
0xe: {  	[smem:$0x3FAF] =	sst s6  }
0xf: {  	[smem:$0x3FB0] =	sst s7  }
0x10: {  	[smem:$0x3FB1] =	sst s8  }
0x11: {  	[smem:$0x3FB2] =	sst s9;
	s0 =	simm.s32 @!p0 $0x0  }
0x12: {  	s1 =	sld [smem:$0x3F98];
	s0 =	simm.s32 @p0 $0x1  }
0x13: {  	[smem:$0x3FB3] =	sst s0;
	s0 =	simm.s32 @!p1 $0x0  }
0x14: {  	s2 =	sld [smem:$0x3F97];
	s0 =	simm.s32 @p1 $0x1  }
0x15: {  	[smem:$0x3FB4] =	sst s0;
	s0 =	simm.s32 @!p2 $0x0  }
0x16: {  	s3 =	sld [smem:$0x3FDB];
	s0 =	simm.s32 @p2 $0x1  }
0x17: {  	s4 =	simm.s32 $0x1BF5;
	[smem:$0x3FB6] =	sst s0  }
0x18: {  	s0 =	sld [smem:$0x3F99];
	_ =	swait.ge [sflag:s4], $0x0  }
0x19: {  	s7 =	sld [smem:$0x3F9A]  }
0x1a: {  	s8 =	sadd.s32 $0xFFFFE003, lr  }
0x1b: {  	s9 =	sadd.s32 $0xFFFFFEF7, lr;
	s5 =	simm.s32 $0xFFFFFFFF;
	p2 =	slt.u32 s8, $0xFFFFF086  }
0x1c: {  	p1 =	slt.u32 s9, $0xF7A;
	s5 =	simm.s32 @!p2 $0x0  }
0x1d: {  	s5 =	simm.s32 @p1 $0x1;
	p0 =	seq.s32 s7, s2  }
0x1e: {  	s7 =	smul.u32 @!p0 $0xF7A, s2;
	p2 =	seq.s32 @!p0 s5, $0x0  }
0x1f: {  	s9 =	smul.u32 $0xF7A, s1;
	s8 =	simm.s32 @!p0 $0x1BF5;
	p2 =	por !p2, p0  }
0x20: {  	[sflag:s8] =	ssyncset.s32 @!p0 $0xFFFFF086;
	s6 =	sadd.s32 @!p0 s3, s7;
	s7 =	simm.s32 @!p0 $0x108  }
0x21: {  	s3 =	sadd.s32 s3, s9;
	s6 =	sadd.s32 @!p0 $0x88, s6;
	s7 =	simm.s32 @p2 $0x1082  }
0x22: {  	[simem:s7], [sflag:s8] =	dma.local @!p0 [hbm:s6], $0xF7A  }
0x23: {  	s9 =	sor.u32 $0xD0000000, s2;
	s6 =	simm.s32 $0x108;
	_ =	swait.ge @!p0 [sflag:s8], $0x0  }
0x24: {  	s3 =	sadd.s32 $0x88, s3;
	s6 =	simm.s32 @!p1 $0x1082;
	[sflag:s4] =	ssyncset.s32 $0xFFFFF086  }
0x25: {  	[simem:s6], [sflag:s4] =	dma.local [hbm:s3], $0xF7A  }
0x26: {  	[smem:$0x3F9A] =	sst s1;
	(tag) =	ssettag s2;
	_ =	strace s9  }
0x27: {  	s1 =	sld [smem:$0x3FAA]  }
0x28: {  	s2 =	sld [smem:$0x3FAB]  }
0x29: {  	s4 =	sld [smem:$0x3FAD]  }
0x2a: {  	p0 =	seq.s32 s5, $0x0;
	s5 =	sld [smem:$0x3FAE]  }
0x2b: {  	s6 =	sld [smem:$0x3FAF]  }
0x2c: {  	s7 =	sld [smem:$0x3FB0]  }
0x2d: {  	s3 =	simm.s32 $0x108;
	s8 =	sld [smem:$0x3FB1]  }
0x2e: {  	s3 =	simm.s32 @!p0 $0x1082;
	s9 =	sld [smem:$0x3FB2]  }
0x2f: {  	lr =	sadd.s32 s0, s3;
	s0 =	sld [smem:$0x3FA9]  }
0x30: {  	s3 =	sld [smem:$0x3FAC]  }
0x31: {  	[smem:$0x3FB5] =	sst s10  }
0x32: {  	s10 =	sld [smem:$0x3FB3];
	_ =	sdelay $0x3  }
0x33: {  	p0 =	seq.s32 s10, $0x1;
	s10 =	sld [smem:$0x3FB5];
	_ =	sdelay $0x3  }
0x34: {  	[smem:$0x3FB5] =	sst s10  }
0x35: {  	s10 =	sld [smem:$0x3FB4];
	_ =	sdelay $0x3  }
0x36: {  	p1 =	seq.s32 s10, $0x1;
	s10 =	sld [smem:$0x3FB5];
	_ =	sdelay $0x3  }
0x37: {  	[smem:$0x3FB5] =	sst s10  }
0x38: {  	s10 =	sld [smem:$0x3FB6]  }
0x39: {  	_ = 	snop;
	(pc) =	sbr.ind lr, $3  }
0x3a: {  	_ = 	snop  }
0x3b: {  	_ = 	snop  }
0x3c: {  	p2 =	seq.s32 s10, $0x1;
	s10 =	sld [smem:$0x3FB5]  }
0x3d: {  	_ =	shalt  }
0x3e: {  	_ =	shalt  }
0x3f: {  	_ =	shalt  }
0x40: {  	_ =	shalt  }
0x41: {  	_ =	shalt  }
0x42: {  	_ =	shalt  }
0x43: {  	_ =	shalt  }
0x44: {  	_ =	shalt  }
0x45: {  	_ =	shalt  }
0x46: {  	_ =	shalt  }
0x47: {  	_ =	shalt  }
0x48: {  	_ =	shalt  }
0x49: {  	_ =	shalt  }
0x4a: {  	_ =	shalt  }
0x4b: {  	_ =	shalt  }
0x4c: {  	_ =	shalt  }
0x4d: {  	_ =	shalt  }
0x4e: {  	_ =	shalt  }
0x4f: {  	_ =	shalt  }
0x50: {  	_ =	shalt  }
0x51: {  	_ =	shalt  }
0x52: {  	_ =	shalt  }
0x53: {  	_ =	shalt  }
0x54: {  	_ =	shalt  }
0x55: {  	_ =	shalt  }
0x56: {  	_ =	shalt  }
0x57: {  	_ =	shalt  }
0x58: {  	_ =	shalt  }
0x59: {  	_ =	shalt  }
0x5a: {  	_ =	shalt  }
0x5b: {  	_ =	shalt  }
0x5c: {  	_ =	shalt  }
0x5d: {  	_ =	shalt  }
0x5e: {  	_ =	shalt  }
0x5f: {  	_ =	shalt  }
0x60: {  	_ =	shalt  }
0x61: {  	_ =	shalt  }
0x62: {  	_ =	shalt  }
0x63: {  	_ =	shalt  }
0x64: {  	_ =	shalt  }
0x65: {  	_ =	shalt  }
0x66: {  	_ =	shalt  }
0x67: {  	_ =	shalt  }
0x68: {  	_ =	shalt  }
0x69: {  	_ =	shalt  }
0x6a: {  	_ =	shalt  }
0x6b: {  	_ =	shalt  }
0x6c: {  	_ =	shalt  }
0x6d: {  	_ =	shalt  }
0x6e: {  	_ =	shalt  }
0x6f: {  	_ =	shalt  }
0x70: {  	_ =	shalt  }
0x71: {  	_ =	shalt  }
0x72: {  	_ =	shalt  }
0x73: {  	_ =	shalt  }
0x74: {  	_ =	shalt  }
0x75: {  	_ =	shalt  }
0x76: {  	_ =	shalt  }
0x77: {  	_ =	shalt  }
0x78: {  	_ =	shalt  }
0x79: {  	_ =	shalt  }
0x7a: {  	_ =	shalt  }
0x7b: {  	_ =	shalt  }
0x7c: {  	_ =	shalt  }
0x7d: {  	_ =	shalt  }
0x7e: {  	_ =	shalt  }
0x7f: {  	_ =	shalt  }
0x80: {  	_ =	shalt  }
0x81: {  	_ =	shalt  }
0x82: {  	_ =	shalt  }
0x83: {  	_ =	shalt  }
0x84: {  	_ =	shalt  }
0x85: {  	_ =	shalt  }
0x86: {  	_ =	shalt  }
0x87: {  	_ =	shalt  }
.Lfunc_end0:
.L_simem_size_0:
called_computation_lowered:
.L_overlay_start_0:
0x88: {  	s2 =	sld [smem:$0x3FD9]  }
0x89: {  	s3 =	sld [smem:$0x3FFE];
	_ =	sdelay $0x1  }
0x8a: {  	s1 =	srdreg.scid  }
0x8b: {  	s0 =	sand.u32 $0x1, s1  }
0x8c: {  	s17 =	sshll.u32 s0, $0xA;
	s2 =	sadd.s32 s3, s2  }
0x8d: {  	s2 =	sadd.s32 s2, s17  }
0x8e: {  	[smem:$0x3FC1] =	sst s2  }
0x8f: {  	_ = 	snop  }
0x90: {  	s2 =	sld [smem:$0x3FD0];
	(tm) =	ssettm $0x1  }
0x91: {  	s18 =	sld [smem:$0x3FFB];
	_ =	sdelay $0x3  }
0x92: {  	_ =	strace s18  }
0x93: {  	s3 =	sld [smem:$0x3FFC];
	_ =	sdelay $0x3  }
0x94: {  	_ =	strace s3  }
0x95: {  	s3 =	sld [smem:$0x3FFD];
	_ =	sdelay $0x3  }
0x96: {  	_ =	strace s3  }
0x97: {  	_ =	strace $0x8FFFFFFF  }
0x98: {  	s19 =	sld [smem:$0x3FDB];
	_ =	sdelay $0x1  }
0x99: {  	s4 =	simm.s32 $_scs_section_size  }
0x9a: {  	s5 =	simm.s32 $_size__tile_overlayer_lowered;
	s6 =	simm.s32 $_tile_overlayer_lowered  }
0x9b: {  	s22 =	simm.s32 $0x1BFF;
	s21 =	sshll.u32 s6, $0x1;
	s3 =	sadd.s32 s4, s19  }
0x9c: {  	s7 =	simm.s32 $0x0;
	s20 =	sshll.u32 s5, $0x1;
	s5 =	sadd.s32 s21, s3  }
0x9d: {  	[timem:s7], [sflag:s22] =	dma.local [hbm:s5], s20  }
0x9e: {  	_ =	swait.ge [sflag:s22], s20  }
0x9f: {  	s4 =	ssub.s32 $0x0, s20;
	[sflag:s22] =	ssyncset.done $0x0  }
0xa0: {  	[sflag:s22] =	ssyncadd.s32 s4;
	_ =	sdelay $0x1  }
0xa1: {  	s23 =	simm.s32 $0x1B8B  }
0xa2: {  	_ =	swait.ge [sflag:s23], $0x1  }
0xa3: {  	[sflag:s23] =	ssyncset.done $0x0  }
0xa4: {  	s25 =	simm.s32 $0x1B8E;
	s24 =	sld [smem:$0x3FFE];
	[sflag:s23] =	ssyncadd.s32 $0xFFFFFFFF  }
0xa5: {  	s26 =	simm.s32 $execute0_lowered;
	[smem:$0x3FD2] =	sst s25  }
0xa6: {  	s5 =	sshll.u32 s26, $0x1;
	_ =	strace $0x80000046;
	[dreg:$0x1] =	wrdreg $0xFFFFFFFF  }
0xa7: {  	s28 =	simm.s32 $_size_execute0_lowered;
	s3 =	sadd.s32 s3, s5;
	[dreg:$0x0] =	wrdreg $0x0  }
0xa8: {  	s5 =	sshll.u32 s28, $0x1;
	[dreg:$0x2] =	wrdreg s3  }
0xa9: {  	[dreg:$0x3] =	wrdreg s5  }
0xaa: {  	[dreg:$0x4] =	wrdreg $0xC0  }
0xab: {  	_ =	task [dreg:s7], $0x5FFFF  }
0xac: {  	[dreg:$0x1] =	wrdreg $0xFFFFFFFF  }
0xad: {  	[dreg:$0x0] =	wrdreg $0x60  }
0xae: {  	[dreg:$0x2] =	wrdreg s2  }
0xaf: {  	[dreg:$0x3] =	wrdreg s24  }
0xb0: {  	[dreg:$0x4] =	wrdreg $0x50800  }
0xb1: {  	[dreg:$0x5] =	wrdreg $0x53000  }
0xb2: {  	[dreg:$0x6] =	wrdreg $0x9  }
0xb3: {  	_ =	task.clear_ibuf [dreg:s7], $0x7FFFF;
	_ =	strace $0x90000046  }
0xb4: {  	s29 =	simm.s32 $0x9;
	_ =	strace $0x80000048  }
0xb5: {  	_ =	swait.ge [sflag:s29], $0x1  }
0xb6: {  	[sflag:s29] =	ssyncadd.s32 $0xFFFFFFFF  }
0xb7: {  	_ =	strace $0x90000048  }
0xb8: {  	_ =	sfence  }
0xb9: {  	s30 =	sld [smem:$0x0];
	_ =	sdelay $0x2  }
0xba: {  	s31 =	sshll.u32 s1, $0xD;
	s1 =	sshrl.u32 s1, $0x2  }
0xbb: {  	s3 =	sand.u32 $0x4000, s31;
	s1 =	sadd.s32 s1, s30  }
0xbc: {  	s0 =	sor.u32 s3, s0;
	s1 =	sshll.u32 s1, $0x11  }
0xbd: {  	s0 =	sor.u32 s1, s0  }
0xbe: {  	s0 =	sadd.s32 $0x8F2B, s0  }
0xbf: {  	[sflag:s0] =	ssyncadd.remote.s32 $0x1  }
0xc0: {  	_ =	sfence.sel $0xFFFF  }
0xc1: {  	[dreg:$0x0] =	wrdreg $0xFFFFFFFF;
	(pc) =	sbr.abs _section_cstart, $3  }
0xc2: {  	[dreg:$0x1] =	wrdreg $0xFFFFFFFF  }
0xc3: {  	_ =	task.clear_ibuf [dreg:s7], $0x2FFFF;
	_ =	strace $0x9FFFFFFF  }
0xc4: {  	(tm) =	ssettm $0x7FFFFFFF  }
0xc5: {  	_ =	shalt  }
tec
execute0_lowered:
.L_overlay_start_1:
0x0: {  	(tag) =	ssettag $0x1  }
0x1: {  	s8 =	rddreg [dreg:$0x0]  }
0x2: {  	s7 =	rddreg [dreg:$0x1]  }
0x3: {  	s0 =	srdreg.scid;
	s2 =	rddreg [dreg:$0x2]  }
0x4: {  	s3 =	rddreg [dreg:$0x3];
	s4 =	simm.s32 $0x0;
	s17 =	simm.s32 $0x2800  }
0x5: {  	s18 =	simm.s32 $0x80;
	s19 =	simm.s32 $0x20;
	s5 =	sand.u32 $0x1, s0  }
0x6: {  	s20 =	simm.s32 $0x10;
	s0 =	stileid.u32;
	s6 =	smul.u32 $0x5000, s5  }
0x7: {  	s21 =	simm.s32 $0x0;
	[smem:$0x7FF] =	sst s4;
	s10 =	smul.u32 $0x500, s0  }
0x8: {  	s1 =	sshll.u32 s5, $0x4;
	s11 =	smul.u32 $0x280, s0;
	s5 =	ssub.s32 $0x2, s5  }
0x9: {  	s31 =	sshll.u32 s0, $0x6;
	s1 =	sor.u32 s0, s1;
	s30 =	sshrl.u32 s5, $0x1  }
0xa: {  	s9 =	smul.u32 $0x500, s1;
	s1 =	rddreg [dreg:$0x4];
	_ =	strace $0x80000047  }
0xb: {  	s6 =	sadd.s32 s10, s6;
	s29 =	sshrl.u32 s11, $0x3;
	s14 =	ssub.s32 s5, s30  }
0xc: {  	s15 =	sadd.s32 s11, s2;
	s16 =	sadd.s32 s11, s3;
	s6 =	sshrl.u32 s6, $0x3  }
0xd: {  	s10 =	sadd.s32 s29, s7;
	s12 =	sadd.s32 s9, s7;
	s13 =	sadd.s32 s6, s7  }
0xe: {  	s5 =	sadd.s32 $0xB800, s10;
	s6 =	sor.u32 $0x1C01, s31;
	s7 =	sadd.s32 $0xBD00, s7  }
0xf: {  	s8 =	sadd.s32 s8, s9;
	s9 =	sadd.s32 $0x1800, s12;
	s10 =	sadd.s32 $0xBE00, s13  }
0x10: {  	s11 =	sadd.s32 $0xBE10, s13;
	s12 =	smax.u32 s14, $0x1;
	s13 =	sshrl.u32 s15, $0x3  }
0x11: {  	s14 =	simm.s32 $0x1;
	s15 =	sshrl.u32 s16, $0x3;
	s16 =	simm.s32 $0x5000  }
.LBB2_1:
0x12: {  	[spmem:s13], [sflag:s6] =	dma.local [hbm:s5], $0x50  }
0x13: {  	_ =	swait.ge [sflag:s14], $0x50  }
0x14: {  	[sflag:s14] =	ssyncset.done $0x0  }
0x15: {  	[sflag:s14] =	ssyncadd.s32 $0xFFFFFFB0  }
0x16: {  	[spmem:s15], [sflag:s6] =	dma.local [hbm:s5], $0x50  }
0x17: {  	_ =	swait.ge [sflag:s14], $0x50  }
0x18: {  	[sflag:s14] =	ssyncset.done $0x0  }
0x19: {  	[sflag:s14] =	ssyncadd.s32 $0xFFFFFFB0  }
0x1a: {  	[tilespmem:s16], [sflag:$0x1] =	stream.linear.gather [hbm4b:s7+s4], $0x80, $0x38;
	[tilespmem:$0x5580] =	vst v63  }
0x1b: {  	_ =	swait.ge [sflag:s14], $0x80  }
0x1c: {  	[sflag:s14] =	ssyncset.done $0x0  }
0x1d: {  	[sflag:s14] =	ssyncadd.s32 $0xFFFFFF80  }
0x1e: {  	[tilespmem:s4], [sflag:$0x1] =	stream.linear.gather [hbm4b:s8+s4], $0x2800, $0x38;
	[tilespmem:$0x5580] =	vst v63  }
0x1f: {  	_ =	swait.ge [sflag:s14], $0x2800  }
0x20: {  	[sflag:s14] =	ssyncset.done $0x0  }
0x21: {  	[sflag:s14] =	ssyncadd.s32 $0xFFFFD800  }
0x22: {  	[tilespmem:s17], [sflag:$0x1] =	stream.linear.gather [hbm4b:s9+s4], $0x2800, $0x38;
	[tilespmem:$0x5580] =	vst v63  }
0x23: {  	_ =	swait.ge [sflag:s14], $0x2800  }
0x24: {  	[sflag:s14] =	ssyncset.done $0x0  }
0x25: {  	[sflag:s14] =	ssyncadd.s32 $0xFFFFD800  }
0x26: {  	s22 =	simm.s32 $0x0;
	[bflag:$0x0] =	sbarrier.arrive $0xFFFF  }
0x27: {  	[spmem:s2] =	stream.indirect.scatter.add.f32 [tilespmem:s16], [sflag:$0x1], $0x1, s22, s18, $0xb8;
	[tilespmem:$0x5580] =	vst v63  }
0x28: {  	_ =	swait.ge [sflag:s14], $0x80  }
0x29: {  	[sflag:s14] =	ssyncset.done $0x0  }
0x2a: {  	s31 =	simm.s32 $0x2800;
	[sflag:s14] =	ssyncadd.s32 $0xFFFFFF80  }
0x2b: {  	[spmem:s3] =	stream.indirect.scatter.add.f32 [tilespmem:s16], [sflag:$0x1], $0x1, s31, s18, $0xb8;
	[tilespmem:$0x5580] =	vst v63  }
0x2c: {  	_ =	swait.ge [sflag:s14], $0x80  }
0x2d: {  	s23 =	simm.s32 $0x400;
	s22 =	simm.s32 $0x200;
	[sflag:s14] =	ssyncset.done $0x0  }
.LBB2_2:
0x2e: {  	s24 =	sshra.s32 s22, $0x2  }
0x2f: {  	[sflag:s14] =	ssyncadd.s32 $0xFFFFFF80;
	s22 =	smov.u32 s23;
	s25 =	sadd.s32 $0x200, s23  }
0x30: {  	[spmem:s2] =	stream.indirect.scatter.add.f32 [tilespmem:s16], [sflag:$0x1], $0x1, s24, s18, $0xb8;
	[tilespmem:$0x5580] =	vst v63  }
0x31: {  	p0 =	sne.s32 s23, $0x9E00;
	_ =	swait.ge [sflag:s14], $0x80  }
.Ltmp0:
0x32: {  	[sflag:s14] =	ssyncset.done $0x0;
	(pc) =	sbr.rel @p0 .LBB2_2-.Ltmp0, $4  }
0x33: {  	s23 =	sadd.s32 $0x2800, s24;
	[sflag:s14] =	ssyncadd.s32 $0xFFFFFF80  }
0x34: {  	[spmem:s3] =	stream.indirect.scatter.add.f32 [tilespmem:s16], [sflag:$0x1], $0x1, s23, s18, $0xb8;
	[tilespmem:$0x5580] =	vst v63  }
0x35: {  	_ =	swait.ge [sflag:s14], $0x80  }
0x36: {  	s23 =	smov.u32 s25;
	[sflag:s14] =	ssyncset.done $0x0  }
0x37: {  	s22 =	sshra.s32 s22, $0x2;
	[sflag:s14] =	ssyncadd.s32 $0xFFFFFF80  }
0x38: {  	[spmem:s2] =	stream.indirect.scatter.add.f32 [tilespmem:s16], [sflag:$0x1], $0x1, s22, s18, $0xb8;
	[tilespmem:$0x5580] =	vst v63  }
0x39: {  	_ =	swait.ge [sflag:s14], $0x80  }
0x3a: {  	[sflag:s14] =	ssyncset.done $0x0  }
0x3b: {  	s22 =	sadd.s32 $0x2800, s22;
	[sflag:s14] =	ssyncadd.s32 $0xFFFFFF80  }
0x3c: {  	[spmem:s3] =	stream.indirect.scatter.add.f32 [tilespmem:s16], [sflag:$0x1], $0x1, s22, s18, $0xb8;
	[tilespmem:$0x5580] =	vst v63  }
0x3d: {  	_ =	swait.ge [sflag:s14], $0x80  }
0x3e: {  	[sflag:s14] =	ssyncset.done $0x0  }
0x3f: {  	[sflag:s14] =	ssyncadd.s32 $0xFFFFFF80  }
0x40: {  	[bflag:$0x0] =	sbarrier.arrive $0xFFFF  }
0x41: {  	[hbm:s10@s19], [sflag:s6] =	dma.strided [spmem:s13@s20], $0x50, s14, $0x10   }
0x42: {  	s21 =	sadd.s32 $0x1, s21;
	_ =	swait.ge [sflag:s14], $0x50  }
0x43: {  	p0 =	sne.s32 s21, s12;
	[sflag:s14] =	ssyncset.done $0x0  }
.Ltmp1:
0x44: {  	[sflag:s14] =	ssyncadd.s32 $0xFFFFFFB0;
	(pc) =	sbr.rel @p0 .LBB2_1-.Ltmp1, $4  }
0x45: {  	[hbm:s11@s19], [sflag:s6] =	dma.strided [spmem:s15@s20], $0x50, s14, $0x10   }
0x46: {  	_ =	swait.ge [sflag:s14], $0x50  }
0x47: {  	[sflag:s14] =	ssyncset.done $0x0  }
0x48: {  	[sflag:s14] =	ssyncadd.s32 $0xFFFFFFB0  }
0x49: {  	_ =	sfence.sel $0x180000  }
0x4a: {  	[bflag:$0x0] =	sbarrier.arrive $0xFFFF  }
0x4b: {  	p0 =	sne.s32 s0, $0x0;
	_ =	strace $0x90000047  }
0x4c: {  	s0 =	sadd.s32 @!p0 $0x100000, s1;
	[bflag:$0x2] =	sbarrier.arrive $0xFFFF  }
0x4d: {  	[sflag:s0] =	ssyncadd.tile.s32 @!p0 $0x1;
	_ =	shalt  }
.Lfunc_end2:
_tile_overlayer_lowered:
.L_overlay_start_2:
0x4e: {  	(tag) =	ssettag $0x2  }
0x4f: {  	s0 =	rddreg [dreg:$0x0];
	s2 =	stileid.u32  }
0x50: {  	s1 =	rddreg [dreg:$0x1];
	p0 =	sne.s32 s2, $0x0  }
0x51: {  	s3 =	rddreg [dreg:$0x2];
	[bflag:$0x3] =	sbarrier.arrive $0xFFFF;
	s2 =	simm.s32 @!p0 $0x1C01  }
0x52: {  	[timem:s3], [sflag:s2] =	dma.local @!p0 [hbm:s0], s1  }
0x53: {  	s0 =	simm.s32 @!p0 $0x1  }
0x54: {  	_ =	swait.ge @!p0 [sflag:s0], s1  }
0x55: {  	s1 =	ssub.s32 @!p0 $0x0, s1;
	[sflag:s0] =	ssyncset.done @!p0 $0x0  }
0x56: {  	[sflag:s0] =	ssyncadd.s32 @!p0 s1  }
0x57: {  	[bflag:$0x3] =	sbarrier.arrive $0xFFFF  }
0x58: {  	_ =	shalt  }

// kernel: kernel.9.cloned.1.call-start
scs
__scs_entry_jumppad:
0x0: {  	(pc) =	sbr.rel $0x88, $3  }
0x1: {  	(tag) =	ssettag $0x0;
	lr =	simm.s32 $0x1  }
0x2: {  	[smem:$0x3F9A] =	sst lr;
	_ =	strace $0xD0000000  }
0x3: {  	_ = 	snop  }
0x4: {  	_ = 	snop  }
0x5: {  	_ = 	snop  }
0x6: {  	_ = 	snop  }
0x7: {  	_ = 	snop  }
__scs_overlays_trampoline_lowered:
0x8: {  	[smem:$0x3FA9] =	sst s0  }
0x9: {  	[smem:$0x3FAA] =	sst s1  }
0xa: {  	[smem:$0x3FAB] =	sst s2  }
0xb: {  	[smem:$0x3FAC] =	sst s3  }
0xc: {  	[smem:$0x3FAD] =	sst s4  }
0xd: {  	[smem:$0x3FAE] =	sst s5  }
0xe: {  	[smem:$0x3FAF] =	sst s6  }
0xf: {  	[smem:$0x3FB0] =	sst s7  }
0x10: {  	[smem:$0x3FB1] =	sst s8  }
0x11: {  	[smem:$0x3FB2] =	sst s9;
	s0 =	simm.s32 @!p0 $0x0  }
0x12: {  	s1 =	sld [smem:$0x3F98];
	s0 =	simm.s32 @p0 $0x1  }
0x13: {  	[smem:$0x3FB3] =	sst s0;
	s0 =	simm.s32 @!p1 $0x0  }
0x14: {  	s2 =	sld [smem:$0x3F97];
	s0 =	simm.s32 @p1 $0x1  }
0x15: {  	[smem:$0x3FB4] =	sst s0;
	s0 =	simm.s32 @!p2 $0x0  }
0x16: {  	s3 =	sld [smem:$0x3FDB];
	s0 =	simm.s32 @p2 $0x1  }
0x17: {  	s4 =	simm.s32 $0x1BF5;
	[smem:$0x3FB6] =	sst s0  }
0x18: {  	s0 =	sld [smem:$0x3F99];
	_ =	swait.ge [sflag:s4], $0x0  }
0x19: {  	s7 =	sld [smem:$0x3F9A]  }
0x1a: {  	s8 =	sadd.s32 $0xFFFFE003, lr  }
0x1b: {  	s9 =	sadd.s32 $0xFFFFFEF7, lr;
	s5 =	simm.s32 $0xFFFFFFFF;
	p2 =	slt.u32 s8, $0xFFFFF086  }
0x1c: {  	p1 =	slt.u32 s9, $0xF7A;
	s5 =	simm.s32 @!p2 $0x0  }
0x1d: {  	s5 =	simm.s32 @p1 $0x1;
	p0 =	seq.s32 s7, s2  }
0x1e: {  	s7 =	smul.u32 @!p0 $0xF7A, s2;
	p2 =	seq.s32 @!p0 s5, $0x0  }
0x1f: {  	s9 =	smul.u32 $0xF7A, s1;
	s8 =	simm.s32 @!p0 $0x1BF5;
	p2 =	por !p2, p0  }
0x20: {  	[sflag:s8] =	ssyncset.s32 @!p0 $0xFFFFF086;
	s6 =	sadd.s32 @!p0 s3, s7;
	s7 =	simm.s32 @!p0 $0x108  }
0x21: {  	s3 =	sadd.s32 s3, s9;
	s6 =	sadd.s32 @!p0 $0x88, s6;
	s7 =	simm.s32 @p2 $0x1082  }
0x22: {  	[simem:s7], [sflag:s8] =	dma.local @!p0 [hbm:s6], $0xF7A  }
0x23: {  	s9 =	sor.u32 $0xD0000000, s2;
	s6 =	simm.s32 $0x108;
	_ =	swait.ge @!p0 [sflag:s8], $0x0  }
0x24: {  	s3 =	sadd.s32 $0x88, s3;
	s6 =	simm.s32 @!p1 $0x1082;
	[sflag:s4] =	ssyncset.s32 $0xFFFFF086  }
0x25: {  	[simem:s6], [sflag:s4] =	dma.local [hbm:s3], $0xF7A  }
0x26: {  	[smem:$0x3F9A] =	sst s1;
	(tag) =	ssettag s2;
	_ =	strace s9  }
0x27: {  	s1 =	sld [smem:$0x3FAA]  }
0x28: {  	s2 =	sld [smem:$0x3FAB]  }
0x29: {  	s4 =	sld [smem:$0x3FAD]  }
0x2a: {  	p0 =	seq.s32 s5, $0x0;
	s5 =	sld [smem:$0x3FAE]  }
0x2b: {  	s6 =	sld [smem:$0x3FAF]  }
0x2c: {  	s7 =	sld [smem:$0x3FB0]  }
0x2d: {  	s3 =	simm.s32 $0x108;
	s8 =	sld [smem:$0x3FB1]  }
0x2e: {  	s3 =	simm.s32 @!p0 $0x1082;
	s9 =	sld [smem:$0x3FB2]  }
0x2f: {  	lr =	sadd.s32 s0, s3;
	s0 =	sld [smem:$0x3FA9]  }
0x30: {  	s3 =	sld [smem:$0x3FAC]  }
0x31: {  	[smem:$0x3FB5] =	sst s10  }
0x32: {  	s10 =	sld [smem:$0x3FB3];
	_ =	sdelay $0x3  }
0x33: {  	p0 =	seq.s32 s10, $0x1;
	s10 =	sld [smem:$0x3FB5];
	_ =	sdelay $0x3  }
0x34: {  	[smem:$0x3FB5] =	sst s10  }
0x35: {  	s10 =	sld [smem:$0x3FB4];
	_ =	sdelay $0x3  }
0x36: {  	p1 =	seq.s32 s10, $0x1;
	s10 =	sld [smem:$0x3FB5];
	_ =	sdelay $0x3  }
0x37: {  	[smem:$0x3FB5] =	sst s10  }
0x38: {  	s10 =	sld [smem:$0x3FB6]  }
0x39: {  	_ = 	snop;
	(pc) =	sbr.ind lr, $3  }
0x3a: {  	_ = 	snop  }
0x3b: {  	_ = 	snop  }
0x3c: {  	p2 =	seq.s32 s10, $0x1;
	s10 =	sld [smem:$0x3FB5]  }
0x3d: {  	_ =	shalt  }
0x3e: {  	_ =	shalt  }
0x3f: {  	_ =	shalt  }
0x40: {  	_ =	shalt  }
0x41: {  	_ =	shalt  }
0x42: {  	_ =	shalt  }
0x43: {  	_ =	shalt  }
0x44: {  	_ =	shalt  }
0x45: {  	_ =	shalt  }
0x46: {  	_ =	shalt  }
0x47: {  	_ =	shalt  }
0x48: {  	_ =	shalt  }
0x49: {  	_ =	shalt  }
0x4a: {  	_ =	shalt  }
0x4b: {  	_ =	shalt  }
0x4c: {  	_ =	shalt  }
0x4d: {  	_ =	shalt  }
0x4e: {  	_ =	shalt  }
0x4f: {  	_ =	shalt  }
0x50: {  	_ =	shalt  }
0x51: {  	_ =	shalt  }
0x52: {  	_ =	shalt  }
0x53: {  	_ =	shalt  }
0x54: {  	_ =	shalt  }
0x55: {  	_ =	shalt  }
0x56: {  	_ =	shalt  }
0x57: {  	_ =	shalt  }
0x58: {  	_ =	shalt  }
0x59: {  	_ =	shalt  }
0x5a: {  	_ =	shalt  }
0x5b: {  	_ =	shalt  }
0x5c: {  	_ =	shalt  }
0x5d: {  	_ =	shalt  }
0x5e: {  	_ =	shalt  }
0x5f: {  	_ =	shalt  }
0x60: {  	_ =	shalt  }
0x61: {  	_ =	shalt  }
0x62: {  	_ =	shalt  }
0x63: {  	_ =	shalt  }
0x64: {  	_ =	shalt  }
0x65: {  	_ =	shalt  }
0x66: {  	_ =	shalt  }
0x67: {  	_ =	shalt  }
0x68: {  	_ =	shalt  }
0x69: {  	_ =	shalt  }
0x6a: {  	_ =	shalt  }
0x6b: {  	_ =	shalt  }
0x6c: {  	_ =	shalt  }
0x6d: {  	_ =	shalt  }
0x6e: {  	_ =	shalt  }
0x6f: {  	_ =	shalt  }
0x70: {  	_ =	shalt  }
0x71: {  	_ =	shalt  }
0x72: {  	_ =	shalt  }
0x73: {  	_ =	shalt  }
0x74: {  	_ =	shalt  }
0x75: {  	_ =	shalt  }
0x76: {  	_ =	shalt  }
0x77: {  	_ =	shalt  }
0x78: {  	_ =	shalt  }
0x79: {  	_ =	shalt  }
0x7a: {  	_ =	shalt  }
0x7b: {  	_ =	shalt  }
0x7c: {  	_ =	shalt  }
0x7d: {  	_ =	shalt  }
0x7e: {  	_ =	shalt  }
0x7f: {  	_ =	shalt  }
0x80: {  	_ =	shalt  }
0x81: {  	_ =	shalt  }
0x82: {  	_ =	shalt  }
0x83: {  	_ =	shalt  }
0x84: {  	_ =	shalt  }
0x85: {  	_ =	shalt  }
0x86: {  	_ =	shalt  }
0x87: {  	_ =	shalt  }
.Lfunc_end0:
.L_simem_size_0:
called_computation.1_lowered:
.L_overlay_start_0:
0x88: {  	s2 =	sld [smem:$0x3FD9]  }
0x89: {  	s3 =	sld [smem:$0x3FFE];
	_ =	sdelay $0x1  }
0x8a: {  	s1 =	srdreg.scid  }
0x8b: {  	s0 =	sand.u32 $0x1, s1  }
0x8c: {  	s17 =	sshll.u32 s0, $0xA;
	s2 =	sadd.s32 s3, s2  }
0x8d: {  	s2 =	sadd.s32 s2, s17  }
0x8e: {  	[smem:$0x3FC1] =	sst s2  }
0x8f: {  	_ = 	snop  }
0x90: {  	s2 =	sld [smem:$0x3FD0];
	(tm) =	ssettm $0x1  }
0x91: {  	s18 =	sld [smem:$0x3FFB];
	_ =	sdelay $0x3  }
0x92: {  	_ =	strace s18  }
0x93: {  	s3 =	sld [smem:$0x3FFC];
	_ =	sdelay $0x3  }
0x94: {  	_ =	strace s3  }
0x95: {  	s3 =	sld [smem:$0x3FFD];
	_ =	sdelay $0x3  }
0x96: {  	_ =	strace s3  }
0x97: {  	_ =	strace $0x8FFFFFFF  }
0x98: {  	s19 =	sld [smem:$0x3FDB];
	_ =	sdelay $0x1  }
0x99: {  	s4 =	simm.s32 $_scs_section_size  }
0x9a: {  	s5 =	simm.s32 $_size__tile_overlayer_lowered;
	s6 =	simm.s32 $_tile_overlayer_lowered  }
0x9b: {  	s22 =	simm.s32 $0x1BFF;
	s21 =	sshll.u32 s6, $0x1;
	s3 =	sadd.s32 s4, s19  }
0x9c: {  	s7 =	simm.s32 $0x0;
	s20 =	sshll.u32 s5, $0x1;
	s5 =	sadd.s32 s21, s3  }
0x9d: {  	[timem:s7], [sflag:s22] =	dma.local [hbm:s5], s20  }
0x9e: {  	_ =	swait.ge [sflag:s22], s20  }
0x9f: {  	s4 =	ssub.s32 $0x0, s20;
	[sflag:s22] =	ssyncset.done $0x0  }
0xa0: {  	[sflag:s22] =	ssyncadd.s32 s4;
	_ =	sdelay $0x1  }
0xa1: {  	s23 =	simm.s32 $0x1B8B  }
0xa2: {  	_ =	swait.ge [sflag:s23], $0x1  }
0xa3: {  	[sflag:s23] =	ssyncset.done $0x0  }
0xa4: {  	s25 =	simm.s32 $0x1B8E;
	s24 =	sld [smem:$0x3FFE];
	[sflag:s23] =	ssyncadd.s32 $0xFFFFFFFF  }
0xa5: {  	s26 =	simm.s32 $execute0_lowered;
	[smem:$0x3FD2] =	sst s25  }
0xa6: {  	s5 =	sshll.u32 s26, $0x1;
	_ =	strace $0x80000049;
	[dreg:$0x1] =	wrdreg $0xFFFFFFFF  }
0xa7: {  	s28 =	simm.s32 $_size_execute0_lowered;
	s3 =	sadd.s32 s3, s5;
	[dreg:$0x0] =	wrdreg $0x0  }
0xa8: {  	s5 =	sshll.u32 s28, $0x1;
	[dreg:$0x2] =	wrdreg s3  }
0xa9: {  	[dreg:$0x3] =	wrdreg s5  }
0xaa: {  	[dreg:$0x4] =	wrdreg $0xC0  }
0xab: {  	_ =	task [dreg:s7], $0x5FFFF  }
0xac: {  	[dreg:$0x1] =	wrdreg $0xFFFFFFFF  }
0xad: {  	[dreg:$0x0] =	wrdreg $0x60  }
0xae: {  	[dreg:$0x2] =	wrdreg s24  }
0xaf: {  	[dreg:$0x3] =	wrdreg s2  }
0xb0: {  	[dreg:$0x4] =	wrdreg $0xA8000  }
0xb1: {  	[dreg:$0x5] =	wrdreg $0x9  }
0xb2: {  	_ =	task.clear_ibuf [dreg:s7], $0x6FFFF;
	_ =	strace $0x90000049  }
0xb3: {  	s29 =	simm.s32 $0x9;
	_ =	strace $0x8000004B  }
0xb4: {  	_ =	swait.ge [sflag:s29], $0x1  }
0xb5: {  	[sflag:s29] =	ssyncadd.s32 $0xFFFFFFFF  }
0xb6: {  	_ =	strace $0x9000004B  }
0xb7: {  	_ =	sfence  }
0xb8: {  	s30 =	sld [smem:$0x0];
	_ =	sdelay $0x2  }
0xb9: {  	s31 =	sshll.u32 s1, $0xD;
	s1 =	sshrl.u32 s1, $0x2  }
0xba: {  	s3 =	sand.u32 $0x4000, s31;
	s1 =	sadd.s32 s1, s30  }
0xbb: {  	s0 =	sor.u32 s3, s0;
	s1 =	sshll.u32 s1, $0x11  }
0xbc: {  	s0 =	sor.u32 s1, s0  }
0xbd: {  	s0 =	sadd.s32 $0x8F2B, s0  }
0xbe: {  	[sflag:s0] =	ssyncadd.remote.s32 $0x1  }
0xbf: {  	_ =	sfence.sel $0xFFFF  }
0xc0: {  	[dreg:$0x0] =	wrdreg $0xFFFFFFFF;
	(pc) =	sbr.abs _section_cstart, $3  }
0xc1: {  	[dreg:$0x1] =	wrdreg $0xFFFFFFFF  }
0xc2: {  	_ =	task.clear_ibuf [dreg:s7], $0x2FFFF;
	_ =	strace $0x9FFFFFFF  }
0xc3: {  	(tm) =	ssettm $0x7FFFFFFF  }
tec
execute0_lowered:
.L_overlay_start_1:
0x0: {  	(tag) =	ssettag $0x1  }
0x1: {  	s6 =	rddreg [dreg:$0x0]  }
0x2: {  	s9 =	rddreg [dreg:$0x1]  }
0x3: {  	s1 =	rddreg [dreg:$0x2];
	s2 =	srdreg.scid  }
0x4: {  	s0 =	rddreg [dreg:$0x3];
	s3 =	simm.s32 $0x0;
	s16 =	simm.s32 $0x80  }
0x5: {  	s17 =	simm.s32 $0x2800;
	s18 =	simm.s32 $0x1;
	s19 =	simm.s32 $0x6800  }
0x6: {  	s20 =	simm.s32 $0x2;
	s21 =	simm.s32 $0x1380;
	s22 =	simm.s32 $0x2700  }
0x7: {  	s5 =	sand.u32 $0x1, s2;
	s2 =	stileid.u32;
	[smem:$0x7FF] =	sst s3  }
0x8: {  	s4 =	sadd.s32 $0xB800, s6;
	s10 =	sadd.s32 $0x1800, s6;
	s7 =	smul.u32 $0x13C000, s5  }
0x9: {  	s8 =	smul.u32 $0x13C00, s2;
	_ =	strace $0x8000004A;
	s23 =	sshll.u32 s5, $0x4  }
0xa: {  	s11 =	ssub.s32 $0x2, s5;
	s12 =	smul.u32 $0x4F000, s2;
	s5 =	sadd.s32 $0x33000, s6  }
0xb: {  	s28 =	sshll.u32 s2, $0x6;
	s24 =	sor.u32 s2, s23;
	s25 =	sshrl.u32 s11, $0x1  }
0xc: {  	s23 =	simm.s32 $0x2780;
	s7 =	sadd.s32 s8, s7;
	s13 =	smul.u32 $0x2800, s24  }
0xd: {  	s15 =	ssub.s32 s11, s25;
	s26 =	sshrl.u32 s12, $0x2;
	s24 =	simm.s32 $0x0  }
0xe: {  	s7 =	sshrl.u32 s7, $0x3;
	s30 =	sadd.s32 s26, s1;
	s12 =	smax.u32 s15, $0x1  }
0xf: {  	s15 =	simm.s32 $0x1400;
	s14 =	sadd.s32 s7, s6;
	s29 =	sshrl.u32 s13, $0x3  }
0x10: {  	s6 =	sor.u32 $0x1C03, s28;
	s13 =	sshrl.u32 s30, $0x3;
	s31 =	sadd.s32 $0x280, s29  }
0x11: {  	s7 =	sadd.s32 s9, s29;
	s8 =	sadd.s32 s10, s29;
	s11 =	sadd.s32 $0x35800, s14  }
0x12: {  	s14 =	simm.s32 $0x3;
	s9 =	sadd.s32 s9, s31;
	s10 =	sadd.s32 s10, s31  }
.LBB2_1:
0x13: {  	[spmem:s13], [sflag:s6] =	dma.local [hbm:s5], $0x2780  }
0x14: {  	_ =	swait.ge [sflag:s14], $0x2780  }
0x15: {  	[sflag:s14] =	ssyncset.done $0x0  }
0x16: {  	[sflag:s14] =	ssyncadd.s32 $0xFFFFD880  }
0x17: {  	[bflag:$0x0] =	sbarrier.arrive $0xFFFF  }
0x18: {  	[tilespmem:s3], [sflag:$0x3] =	stream.linear.gather [hbm4b:s7+s3], $0x1400, $0x38;
	[tilespmem:$0x1E400] =	vst v63  }
0x19: {  	_ =	swait.ge [sflag:s14], $0x1400  }
0x1a: {  	[sflag:s14] =	ssyncset.done $0x0  }
0x1b: {  	[sflag:s14] =	ssyncadd.s32 $0xFFFFEC00  }
0x1c: {  	[tilespmem:s15], [sflag:$0x3] =	stream.linear.gather [hbm4b:s8+s3], $0x1400, $0x38;
	[tilespmem:$0x1E400] =	vst v63  }
0x1d: {  	_ =	swait.ge [sflag:s14], $0x1400  }
0x1e: {  	[sflag:s14] =	ssyncset.done $0x0  }
0x1f: {  	[sflag:s14] =	ssyncadd.s32 $0xFFFFEC00  }
0x20: {  	[tilespmem:s17], [sflag:$0x1] =	stream.indirect.gather [hbm4b:s4+s16], $0x80, s3, s16, $0xb8;
	[tilespmem:$0x1E400] =	vst v63  }
0x21: {  	_ =	swait.ge [sflag:s18], $0x4000  }
0x22: {  	[sflag:s18] =	ssyncset.done $0x0  }
0x23: {  	s25 =	simm.s32 $0x80;
	[sflag:s18] =	ssyncadd.s32 $0xFFFFC000  }
0x24: {  	[tilespmem:s19], [sflag:$0x2] =	stream.indirect.gather [hbm4b:s4+s16], $0x80, s25, s16, $0xb8;
	[tilespmem:$0x1E400] =	vst v63  }
0x25: {  	s29 =	simm.s32 $0x1400  }
0x26: {  	[spmem:s1] =	stream.indirect.scatter.add.f32 [tilespmem:s17], [sflag:$0x3], $0x80, s29, s16, $0xb8;
	[tilespmem:$0x1E400] =	vst v63  }
0x27: {  	_ =	swait.ge [sflag:s14], $0x4000  }
0x28: {  	[sflag:s14] =	ssyncset.done $0x0  }
0x29: {  	[sflag:s14] =	ssyncadd.s32 $0xFFFFC000  }
0x2a: {  	_ =	swait.ge [sflag:s20], $0x4000  }
0x2b: {  	[sflag:s20] =	ssyncset.done $0x0  }
0x2c: {  	s30 =	simm.s32 $0x100;
	[sflag:s20] =	ssyncadd.s32 $0xFFFFC000  }
0x2d: {  	[tilespmem:s17], [sflag:$0x1] =	stream.indirect.gather [hbm4b:s4+s16], $0x80, s30, s16, $0xb8;
	[tilespmem:$0x1E400] =	vst v63  }
0x2e: {  	s31 =	simm.s32 $0x1480  }
0x2f: {  	[spmem:s1] =	stream.indirect.scatter.add.f32 [tilespmem:s19], [sflag:$0x3], $0x80, s31, s16, $0xb8;
	[tilespmem:$0x1E400] =	vst v63  }
0x30: {  	_ =	swait.ge [sflag:s14], $0x4000  }
0x31: {  	s25 =	simm.s32 $0x400;
	[sflag:s14] =	ssyncset.done $0x0  }
.LBB2_2:
0x32: {  	p0 =	sne.s32 s25, $0x4800  }
0x33: {  	[sflag:s14] =	ssyncadd.s32 $0xFFFFC000;
	s26 =	smov.u32 s25;
	s25 =	sadd.s32 $0x400, s25  }
0x34: {  	_ = 	snop  }
0x35: {  	_ =	swait.ge [sflag:s18], $0x4000  }
0x36: {  	s26 =	sshra.s32 s26, $0x2;
	[sflag:s18] =	ssyncset.done $0x0  }
0x37: {  	s28 =	sadd.s32 $0x80, s26;
	[sflag:s18] =	ssyncadd.s32 $0xFFFFC000  }
0x38: {  	[tilespmem:s19], [sflag:$0x2] =	stream.indirect.gather [hbm4b:s4+s16], $0x80, s28, s16, $0xb8;
	[tilespmem:$0x1E400] =	vst v63  }
0x39: {  	s28 =	sadd.s32 $0x1400, s26  }
0x3a: {  	[spmem:s1] =	stream.indirect.scatter.add.f32 [tilespmem:s17], [sflag:$0x3], $0x80, s28, s16, $0xb8;
	[tilespmem:$0x1E400] =	vst v63  }
0x3b: {  	_ =	swait.ge [sflag:s14], $0x4000  }
0x3c: {  	[sflag:s14] =	ssyncset.done $0x0  }
0x3d: {  	[sflag:s14] =	ssyncadd.s32 $0xFFFFC000  }
0x3e: {  	_ =	swait.ge [sflag:s20], $0x4000  }
0x3f: {  	[sflag:s20] =	ssyncset.done $0x0  }
0x40: {  	s28 =	sadd.s32 $0x100, s26;
	[sflag:s20] =	ssyncadd.s32 $0xFFFFC000  }
0x41: {  	[tilespmem:s17], [sflag:$0x1] =	stream.indirect.gather [hbm4b:s4+s16], $0x80, s28, s16, $0xb8;
	[tilespmem:$0x1E400] =	vst v63  }
.Ltmp0:
0x42: {  	_ = 	snop;
	(pc) =	sbr.rel @p0 .LBB2_2-.Ltmp0, $4  }
0x43: {  	s26 =	sadd.s32 $0x1480, s26  }
0x44: {  	[spmem:s1] =	stream.indirect.scatter.add.f32 [tilespmem:s19], [sflag:$0x3], $0x80, s26, s16, $0xb8;
	[tilespmem:$0x1E400] =	vst v63  }
0x45: {  	_ =	swait.ge [sflag:s14], $0x4000  }
0x46: {  	[sflag:s14] =	ssyncset.done $0x0  }
0x47: {  	[sflag:s14] =	ssyncadd.s32 $0xFFFFC000  }
0x48: {  	_ =	swait.ge [sflag:s18], $0x4000  }
0x49: {  	[sflag:s18] =	ssyncset.done $0x0  }
0x4a: {  	[sflag:s18] =	ssyncadd.s32 $0xFFFFC000  }
0x4b: {  	[tilespmem:s19], [sflag:$0x2] =	stream.indirect.gather [hbm4b:s4+s16], $0x80, s21, s16, $0xb8;
	[tilespmem:$0x1E400] =	vst v63  }
0x4c: {  	_ = 	snop  }
0x4d: {  	[spmem:s1] =	stream.indirect.scatter.add.f32 [tilespmem:s17], [sflag:$0x3], $0x80, s22, s16, $0xb8;
	[tilespmem:$0x1E400] =	vst v63  }
0x4e: {  	_ =	swait.ge [sflag:s14], $0x4000  }
0x4f: {  	[sflag:s14] =	ssyncset.done $0x0  }
0x50: {  	[sflag:s14] =	ssyncadd.s32 $0xFFFFC000  }
0x51: {  	_ =	swait.ge [sflag:s20], $0x4000  }
0x52: {  	[sflag:s20] =	ssyncset.done $0x0  }
0x53: {  	[sflag:s20] =	ssyncadd.s32 $0xFFFFC000  }
0x54: {  	[spmem:s1] =	stream.indirect.scatter.add.f32 [tilespmem:s19], [sflag:$0x3], $0x80, s23, s16, $0xb8;
	[tilespmem:$0x1E400] =	vst v63  }
0x55: {  	_ =	swait.ge [sflag:s14], $0x4000  }
0x56: {  	[sflag:s14] =	ssyncset.done $0x0  }
0x57: {  	s25 =	simm.s32 $0x0;
	[sflag:s14] =	ssyncadd.s32 $0xFFFFC000  }
0x58: {  	[tilespmem:s25], [sflag:$0x3] =	stream.linear.gather [hbm4b:s9+s25], $0x1400, $0x38;
	[tilespmem:$0x1E400] =	vst v63  }
0x59: {  	_ =	swait.ge [sflag:s14], $0x1400  }
0x5a: {  	[sflag:s14] =	ssyncset.done $0x0  }
0x5b: {  	[sflag:s14] =	ssyncadd.s32 $0xFFFFEC00  }
0x5c: {  	[tilespmem:s15], [sflag:$0x3] =	stream.linear.gather [hbm4b:s10+s25], $0x1400, $0x38;
	[tilespmem:$0x1E400] =	vst v63  }
0x5d: {  	_ =	swait.ge [sflag:s14], $0x1400  }
0x5e: {  	[sflag:s14] =	ssyncset.done $0x0  }
0x5f: {  	[sflag:s14] =	ssyncadd.s32 $0xFFFFEC00  }
0x60: {  	[tilespmem:s17], [sflag:$0x1] =	stream.indirect.gather [hbm4b:s4+s16], $0x80, s25, s16, $0xb8;
	[tilespmem:$0x1E400] =	vst v63  }
0x61: {  	_ =	swait.ge [sflag:s18], $0x4000  }
0x62: {  	[sflag:s18] =	ssyncset.done $0x0  }
0x63: {  	s28 =	simm.s32 $0x80;
	[sflag:s18] =	ssyncadd.s32 $0xFFFFC000  }
0x64: {  	[tilespmem:s19], [sflag:$0x2] =	stream.indirect.gather [hbm4b:s4+s16], $0x80, s28, s16, $0xb8;
	[tilespmem:$0x1E400] =	vst v63  }
0x65: {  	s29 =	simm.s32 $0x1400  }
0x66: {  	[spmem:s1] =	stream.indirect.scatter.add.f32 [tilespmem:s17], [sflag:$0x3], $0x80, s29, s16, $0xb8;
	[tilespmem:$0x1E400] =	vst v63  }
0x67: {  	_ =	swait.ge [sflag:s14], $0x4000  }
0x68: {  	[sflag:s14] =	ssyncset.done $0x0  }
0x69: {  	[sflag:s14] =	ssyncadd.s32 $0xFFFFC000  }
0x6a: {  	_ =	swait.ge [sflag:s20], $0x4000  }
0x6b: {  	[sflag:s20] =	ssyncset.done $0x0  }
0x6c: {  	s30 =	simm.s32 $0x100;
	[sflag:s20] =	ssyncadd.s32 $0xFFFFC000  }
0x6d: {  	[tilespmem:s17], [sflag:$0x1] =	stream.indirect.gather [hbm4b:s4+s16], $0x80, s30, s16, $0xb8;
	[tilespmem:$0x1E400] =	vst v63  }
0x6e: {  	s31 =	simm.s32 $0x1480  }
0x6f: {  	[spmem:s1] =	stream.indirect.scatter.add.f32 [tilespmem:s19], [sflag:$0x3], $0x80, s31, s16, $0xb8;
	[tilespmem:$0x1E400] =	vst v63  }
0x70: {  	_ =	swait.ge [sflag:s14], $0x4000  }
0x71: {  	s25 =	simm.s32 $0x400;
	[sflag:s14] =	ssyncset.done $0x0  }
.LBB2_4:
0x72: {  	p0 =	sne.s32 s25, $0x4800  }
0x73: {  	[sflag:s14] =	ssyncadd.s32 $0xFFFFC000;
	s26 =	smov.u32 s25;
	s25 =	sadd.s32 $0x400, s25  }
0x74: {  	_ = 	snop  }
0x75: {  	_ =	swait.ge [sflag:s18], $0x4000  }
0x76: {  	s26 =	sshra.s32 s26, $0x2;
	[sflag:s18] =	ssyncset.done $0x0  }
0x77: {  	s28 =	sadd.s32 $0x80, s26;
	[sflag:s18] =	ssyncadd.s32 $0xFFFFC000  }
0x78: {  	[tilespmem:s19], [sflag:$0x2] =	stream.indirect.gather [hbm4b:s4+s16], $0x80, s28, s16, $0xb8;
	[tilespmem:$0x1E400] =	vst v63  }
0x79: {  	s28 =	sadd.s32 $0x1400, s26  }
0x7a: {  	[spmem:s1] =	stream.indirect.scatter.add.f32 [tilespmem:s17], [sflag:$0x3], $0x80, s28, s16, $0xb8;
	[tilespmem:$0x1E400] =	vst v63  }
0x7b: {  	_ =	swait.ge [sflag:s14], $0x4000  }
0x7c: {  	[sflag:s14] =	ssyncset.done $0x0  }
0x7d: {  	[sflag:s14] =	ssyncadd.s32 $0xFFFFC000  }
0x7e: {  	_ =	swait.ge [sflag:s20], $0x4000  }
0x7f: {  	[sflag:s20] =	ssyncset.done $0x0  }
0x80: {  	s28 =	sadd.s32 $0x100, s26;
	[sflag:s20] =	ssyncadd.s32 $0xFFFFC000  }
0x81: {  	[tilespmem:s17], [sflag:$0x1] =	stream.indirect.gather [hbm4b:s4+s16], $0x80, s28, s16, $0xb8;
	[tilespmem:$0x1E400] =	vst v63  }
.Ltmp1:
0x82: {  	_ = 	snop;
	(pc) =	sbr.rel @p0 .LBB2_4-.Ltmp1, $4  }
0x83: {  	s26 =	sadd.s32 $0x1480, s26  }
0x84: {  	[spmem:s1] =	stream.indirect.scatter.add.f32 [tilespmem:s19], [sflag:$0x3], $0x80, s26, s16, $0xb8;
	[tilespmem:$0x1E400] =	vst v63  }
0x85: {  	_ =	swait.ge [sflag:s14], $0x4000  }
0x86: {  	[sflag:s14] =	ssyncset.done $0x0  }
0x87: {  	[sflag:s14] =	ssyncadd.s32 $0xFFFFC000  }
0x88: {  	_ =	swait.ge [sflag:s18], $0x4000  }
0x89: {  	[sflag:s18] =	ssyncset.done $0x0  }
0x8a: {  	[sflag:s18] =	ssyncadd.s32 $0xFFFFC000  }
0x8b: {  	[tilespmem:s19], [sflag:$0x2] =	stream.indirect.gather [hbm4b:s4+s16], $0x80, s21, s16, $0xb8;
	[tilespmem:$0x1E400] =	vst v63  }
0x8c: {  	_ = 	snop  }
0x8d: {  	[spmem:s1] =	stream.indirect.scatter.add.f32 [tilespmem:s17], [sflag:$0x3], $0x80, s22, s16, $0xb8;
	[tilespmem:$0x1E400] =	vst v63  }
0x8e: {  	_ =	swait.ge [sflag:s14], $0x4000  }
0x8f: {  	[sflag:s14] =	ssyncset.done $0x0  }
0x90: {  	[sflag:s14] =	ssyncadd.s32 $0xFFFFC000  }
0x91: {  	_ =	swait.ge [sflag:s20], $0x4000  }
0x92: {  	[sflag:s20] =	ssyncset.done $0x0  }
0x93: {  	[sflag:s20] =	ssyncadd.s32 $0xFFFFC000  }
0x94: {  	[spmem:s1] =	stream.indirect.scatter.add.f32 [tilespmem:s19], [sflag:$0x3], $0x80, s23, s16, $0xb8;
	[tilespmem:$0x1E400] =	vst v63  }
0x95: {  	_ =	swait.ge [sflag:s14], $0x4000  }
0x96: {  	s24 =	sadd.s32 $0x1, s24;
	[sflag:s14] =	ssyncset.done $0x0  }
0x97: {  	p0 =	sne.s32 s24, s12;
	[sflag:s14] =	ssyncadd.s32 $0xFFFFC000  }
.Ltmp2:
0x98: {  	[bflag:$0x0] =	sbarrier.arrive $0xFFFF;
	(pc) =	sbr.rel @p0 .LBB2_1-.Ltmp2, $4  }
0x99: {  	[hbm:s11], [sflag:s6] =	dma.local [spmem:s13], $0x2780  }
0x9a: {  	_ =	swait.ge [sflag:s14], $0x2780  }
0x9b: {  	[sflag:s14] =	ssyncset.done $0x0  }
0x9c: {  	[sflag:s14] =	ssyncadd.s32 $0xFFFFD880  }
0x9d: {  	_ =	sfence.sel $0x180000  }
0x9e: {  	[bflag:$0x0] =	sbarrier.arrive $0xFFFF  }
0x9f: {  	p0 =	sne.s32 s2, $0x0;
	_ =	strace $0x9000004A  }
0xa0: {  	s0 =	sadd.s32 @!p0 $0x100000, s0;
	[bflag:$0x2] =	sbarrier.arrive $0xFFFF  }
0xa1: {  	[sflag:s0] =	ssyncadd.tile.s32 @!p0 $0x1;
	_ =	shalt  }
.Lfunc_end2:
_tile_overlayer_lowered:
.L_overlay_start_2:
0xa2: {  	(tag) =	ssettag $0x2  }
0xa3: {  	s0 =	rddreg [dreg:$0x0];
	s2 =	stileid.u32  }
0xa4: {  	s1 =	rddreg [dreg:$0x1];
	p0 =	sne.s32 s2, $0x0  }
0xa5: {  	s3 =	rddreg [dreg:$0x2];
	[bflag:$0x3] =	sbarrier.arrive $0xFFFF;
	s2 =	simm.s32 @!p0 $0x1C03  }
0xa6: {  	[timem:s3], [sflag:s2] =	dma.local @!p0 [hbm:s0], s1  }
0xa7: {  	s0 =	simm.s32 @!p0 $0x3  }
0xa8: {  	_ =	swait.ge @!p0 [sflag:s0], s1  }
0xa9: {  	s1 =	ssub.s32 @!p0 $0x0, s1;
	[sflag:s0] =	ssyncset.done @!p0 $0x0  }
0xaa: {  	[sflag:s0] =	ssyncadd.s32 @!p0 s1  }
0xab: {  	[bflag:$0x3] =	sbarrier.arrive $0xFFFF  }
0xac: {  	_ =	shalt  }

</sc_bundles>
